<compile_context>
chip_gen: v7x
topology: tpu7x:2x2x1
jax: 0.10.2.dev20260603
libtpu: 0.0.44.dev20260713+nightly
codegen_flags: <defaults>
</compile_context>

<pallas_src>
import functools

import jax
import jax.numpy as jnp
from jax import lax
from jax.experimental import pallas as pl
from jax.experimental.pallas import tpu as pltpu
from jax.experimental.pallas import tpu_sc as plsc


def _make_sc_gather(V, D, B):
    info = plsc.get_sparse_core_info()
    nw = info.num_cores * info.num_subcores
    b_per_w = B // nw
    mesh = plsc.VectorSubcoreMesh(core_axis_name="c", subcore_axis_name="s")

    @functools.partial(
        pl.kernel,
        mesh=mesh,
        out_type=jax.ShapeDtypeStruct((B, 2 * D), jnp.float32),
        scratch_types=[
            pltpu.VMEM((b_per_w,), jnp.int32),
            pltpu.VMEM((b_per_w, D), jnp.float32),
            pltpu.SemaphoreType.DMA,
        ],
    )
    def gather_k(emb_hbm, idx1_hbm, idx2_hbm, out_hbm, idx_v, rows_v, sem):
        wid = lax.axis_index("s") * info.num_cores + lax.axis_index("c")
        base = wid * b_per_w
        pltpu.sync_copy(idx1_hbm.at[pl.ds(base, b_per_w)], idx_v)
        pltpu.async_copy(emb_hbm.at[idx_v], rows_v, sem).wait()
        pltpu.sync_copy(rows_v,
                        out_hbm.at[pl.ds(base, b_per_w), pl.ds(0, D)])
        pltpu.sync_copy(idx2_hbm.at[pl.ds(base, b_per_w)], idx_v)
        pltpu.async_copy(emb_hbm.at[idx_v], rows_v, sem).wait()
        pltpu.sync_copy(rows_v,
                        out_hbm.at[pl.ds(base, b_per_w), pl.ds(D, D)])

    return gather_k


_SUB = 16


def _mlp_body(x_ref, w1_ref, b1_ref, w2_ref, b2_ref, o_ref):
    bm = x_ref.shape[0]
    sb = bm // _SUB
    w1 = w1_ref[...]
    w2 = w2_ref[...]
    b1 = b1_ref[...]
    b2 = b2_ref[...]
    for j in range(_SUB):
        r = pl.ds(j * sb, sb)
        x = x_ref[r, :].astype(jnp.bfloat16)
        h = jnp.dot(x, w1, preferred_element_type=jnp.float32)
        h = jnp.maximum((h + b1).astype(jnp.bfloat16),
                        jnp.bfloat16(0.0))
        o = jnp.dot(h, w2, preferred_element_type=jnp.float32)
        e = jnp.exp(o + b2)
        y = e / jnp.sum(e, axis=1, keepdims=True)
        o_ref[:, r] = y.T


_NCHUNK = 1
_BM = 4096


def kernel(in1, in2, emb, W1, b1, W2, b2):
    B = in1.shape[0]
    V, D = emb.shape
    H = W1.shape[1]
    O = W2.shape[1]

    in1 = in1.astype(jnp.int32)
    in2 = in2.astype(jnp.int32)

    cb = B // _NCHUNK
    gather = _make_sc_gather(V, D, cb)

    mlp = pl.pallas_call(
        _mlp_body,
        grid=(cb // _BM,),
        in_specs=[
            pl.BlockSpec((_BM, 2 * D), lambda i: (i, 0)),
            pl.BlockSpec((2 * D, H), lambda i: (0, 0)),
            pl.BlockSpec((1, H), lambda i: (0, 0)),
            pl.BlockSpec((H, O), lambda i: (0, 0)),
            pl.BlockSpec((1, O), lambda i: (0, 0)),
        ],
        out_specs=pl.BlockSpec((O, _BM), lambda i: (0, i)),
        out_shape=jax.ShapeDtypeStruct((O, cb), jnp.float32),
    )

    b1r = b1.reshape(1, H)
    b2r = b2.reshape(1, O)
    W1bf = W1.astype(jnp.bfloat16)
    W2bf = W2.astype(jnp.bfloat16)
    outs = []
    for c in range(_NCHUNK):
        s = slice(c * cb, (c + 1) * cb)
        x = gather(emb, in1[s], in2[s])
        outs.append(mlp(x, W1bf, b1r, W2bf, b2r))
    yt = outs[0] if _NCHUNK == 1 else jnp.concatenate(outs, axis=1)
    return yt.T

# --- scband reference (transcript-rebuilt; emitter-appended) ---
"""Pipeline reference for scband-relation-model-1133871366398 (READ-ONLY COPY).

The authoritative reference and input builder live on the scoring server;
editing this copy changes nothing except your own understanding.
"""

import jax, jax.numpy as jnp
import numpy as np

V, D, H, O, B = 100000, 128, 1000, 100, 16384

def setup_inputs(seed: int = 0) -> dict:
    key = jax.random.key(seed)
    k1, k2, k3, k4, k5 = jax.random.split(key, 5)
    return {
        "in1": jax.random.randint(k1, (B,), 0, V, dtype=jnp.int64 if jax.config.jax_enable_x64 else jnp.int32),
        "in2": jax.random.randint(k2, (B,), 0, V, dtype=jnp.int64 if jax.config.jax_enable_x64 else jnp.int32),
        "emb": jax.random.normal(k3, (V, D), dtype=jnp.float32) * 0.02,
        "W1": jax.random.normal(k4, (2 * D, H), dtype=jnp.float32) * 0.02,
        "b1": jnp.zeros((H,), jnp.float32),
        "W2": jax.random.normal(k5, (H, O), dtype=jnp.float32) * 0.02,
        "b2": jnp.zeros((O,), jnp.float32),
    }

def reference(in1, in2, emb, W1, b1, W2, b2):
    # embedding lookups
    emb1 = jnp.take(emb, in1, axis=0)
    emb2 = jnp.take(emb, in2, axis=0)
    # concat along feature dim
    in_cat = jnp.concatenate([emb1, emb2], axis=1)
    # dense1 + ReLU
    out = jax.nn.relu(in_cat @ W1 + b1)
    # dense2
    out = out @ W2 + b2
    # final softmax (note: module applies F.softmax, not sigmoid, in forward)
    y_pred = jax.nn.softmax(out, axis=1)
    return y_pred

if __name__ == "__main__":
    import jax
    _d = setup_inputs()
    print(jax.jit(kernel)(*tuple(_d.values())))

</pallas_src>

<mosaic_0001>
#map = affine_map<(d0, d1) -> (0, 0)>
#map1 = affine_map<(d0, d1) -> (0)>
module attributes {stable_mosaic.version = 14 : i64} {
  func.func @gather_k(%arg0: i32, %arg1: i32, %arg2: memref<100000x128xf32, #tpu.memory_space<hbm>>, %arg3: memref<16384xi32, #tpu.memory_space<hbm>>, %arg4: memref<16384xi32, #tpu.memory_space<hbm>>, %arg5: memref<16384x256xf32, #tpu.memory_space<hbm>>, %arg6: memref<512xi32, #tpu.memory_space<vmem>>, %arg7: memref<512x128xf32, #tpu.memory_space<vmem>>, %arg8: memref<!tpu.dma_semaphore, #tpu.memory_space<semaphore_mem>>) attributes {dimension_semantics = [#tpu.dimension_semantics<core_parallel>, #tpu.dimension_semantics<subcore_parallel>], iteration_bounds = array<i64: 2, 16>, scalar_prefetch = 0 : i64, scratch_operands = 3 : i64, tpu.core_type = #tpu.core_type<sc_vector_subcore>, window_params = [{transform_indices = #map}, {transform_indices = #map1}, {transform_indices = #map1}, {transform_indices = #map}]} {
    %mul3A = arith.constant 2 : i32
    %mul3A_0 = arith.muli %arg1, %mul3A : i32
    %add3A = arith.addi %mul3A_0, %arg0 : i32
    %mul3A_1 = arith.constant 512 : i32
    %mul3A_2 = arith.muli %add3A, %mul3A_1 : i32
    "tpu.region"() ({
      %run_scoped3A = tpu.sem_alloc : memref<!tpu.dma_semaphore, #tpu.memory_space<semaphore_mem>>
      %dma_start3A_13 = tpu.memref_slice %arg3[%mul3A_2] : memref<16384xi32, #tpu.memory_space<hbm>> -> memref<512xi32, #tpu.memory_space<hbm>>
      %dma_start3A_14 = tpu.memref_slice %arg3[%mul3A_2] : memref<16384xi32, #tpu.memory_space<hbm>> -> memref<512xi32, #tpu.memory_space<hbm>>
      tpu.enqueue_dma source(%dma_start3A_14 : memref<512xi32, #tpu.memory_space<hbm>>) target(%arg6 : memref<512xi32, #tpu.memory_space<vmem>>) target_semaphore(%run_scoped3A : memref<!tpu.dma_semaphore, #tpu.memory_space<semaphore_mem>>)
      %dma_wait3A_15 = tpu.memref_slice %arg3[%mul3A_2] : memref<16384xi32, #tpu.memory_space<hbm>> -> memref<512xi32, #tpu.memory_space<hbm>>
      %dma_wait3A_16 = tpu.memref_slice %arg3[%mul3A_2] : memref<16384xi32, #tpu.memory_space<hbm>> -> memref<512xi32, #tpu.memory_space<hbm>>
      tpu.wait_dma2 semaphore(%run_scoped3A : memref<!tpu.dma_semaphore, #tpu.memory_space<semaphore_mem>>) src(%dma_wait3A_16 : memref<512xi32, #tpu.memory_space<hbm>>) dst(%arg6 : memref<512xi32, #tpu.memory_space<vmem>>)
      tpu.yield
    }) : () -> ()
    %dma_start3A = arith.constant 0 : i32
    %dma_start3A_3 = arith.constant 0 : i32
    %dma_start3A_4 = tpu.memref_slice %arg2[%dma_start3A, %dma_start3A_3] : memref<100000x128xf32, #tpu.memory_space<hbm>> -> memref<100000x128xf32, #tpu.memory_space<hbm>>
    tpu.enqueue_indirect_dma source(%dma_start3A_4 : memref<100000x128xf32, #tpu.memory_space<hbm>>) target(%arg7 : memref<512x128xf32, #tpu.memory_space<vmem>>) offsets(%arg6 : memref<512xi32, #tpu.memory_space<vmem>>) semaphore(%arg8 : memref<!tpu.dma_semaphore, #tpu.memory_space<semaphore_mem>>)
    %dma_wait3A = arith.constant 0 : i32
    %dma_wait3A_5 = arith.constant 0 : i32
    %dma_wait3A_6 = tpu.memref_slice %arg2[%dma_wait3A, %dma_wait3A_5] : memref<100000x128xf32, #tpu.memory_space<hbm>> -> memref<100000x128xf32, #tpu.memory_space<hbm>>
    tpu.wait_indirect_dma semaphore(%arg8 : memref<!tpu.dma_semaphore, #tpu.memory_space<semaphore_mem>>) src(%dma_wait3A_6 : memref<100000x128xf32, #tpu.memory_space<hbm>>) dst(%arg7 : memref<512x128xf32, #tpu.memory_space<vmem>>)
    "tpu.region"() ({
      %run_scoped3A = tpu.sem_alloc : memref<!tpu.dma_semaphore, #tpu.memory_space<semaphore_mem>>
      %dma_start3A_13 = arith.constant 0 : i32
      %dma_start3A_14 = tpu.memref_slice %arg5[%mul3A_2, %dma_start3A_13] : memref<16384x256xf32, #tpu.memory_space<hbm>> -> memref<512x128xf32, #tpu.memory_space<hbm>>
      %dma_start3A_15 = arith.constant 0 : i32
      %dma_start3A_16 = tpu.memref_slice %arg5[%mul3A_2, %dma_start3A_15] : memref<16384x256xf32, #tpu.memory_space<hbm>> -> memref<512x128xf32, #tpu.memory_space<hbm>>
      tpu.enqueue_dma source(%arg7 : memref<512x128xf32, #tpu.memory_space<vmem>>) target(%dma_start3A_16 : memref<512x128xf32, #tpu.memory_space<hbm>>) target_semaphore(%run_scoped3A : memref<!tpu.dma_semaphore, #tpu.memory_space<semaphore_mem>>)
      %dma_wait3A_17 = arith.constant 0 : i32
      %dma_wait3A_18 = tpu.memref_slice %arg5[%mul3A_2, %dma_wait3A_17] : memref<16384x256xf32, #tpu.memory_space<hbm>> -> memref<512x128xf32, #tpu.memory_space<hbm>>
      %dma_wait3A_19 = arith.constant 0 : i32
      %dma_wait3A_20 = tpu.memref_slice %arg5[%mul3A_2, %dma_wait3A_19] : memref<16384x256xf32, #tpu.memory_space<hbm>> -> memref<512x128xf32, #tpu.memory_space<hbm>>
      tpu.wait_dma2 semaphore(%run_scoped3A : memref<!tpu.dma_semaphore, #tpu.memory_space<semaphore_mem>>) src(%arg7 : memref<512x128xf32, #tpu.memory_space<vmem>>) dst(%dma_wait3A_20 : memref<512x128xf32, #tpu.memory_space<hbm>>)
      tpu.yield
    }) : () -> ()
    "tpu.region"() ({
      %run_scoped3A = tpu.sem_alloc : memref<!tpu.dma_semaphore, #tpu.memory_space<semaphore_mem>>
      %dma_start3A_13 = tpu.memref_slice %arg4[%mul3A_2] : memref<16384xi32, #tpu.memory_space<hbm>> -> memref<512xi32, #tpu.memory_space<hbm>>
      %dma_start3A_14 = tpu.memref_slice %arg4[%mul3A_2] : memref<16384xi32, #tpu.memory_space<hbm>> -> memref<512xi32, #tpu.memory_space<hbm>>
      tpu.enqueue_dma source(%dma_start3A_14 : memref<512xi32, #tpu.memory_space<hbm>>) target(%arg6 : memref<512xi32, #tpu.memory_space<vmem>>) target_semaphore(%run_scoped3A : memref<!tpu.dma_semaphore, #tpu.memory_space<semaphore_mem>>)
      %dma_wait3A_15 = tpu.memref_slice %arg4[%mul3A_2] : memref<16384xi32, #tpu.memory_space<hbm>> -> memref<512xi32, #tpu.memory_space<hbm>>
      %dma_wait3A_16 = tpu.memref_slice %arg4[%mul3A_2] : memref<16384xi32, #tpu.memory_space<hbm>> -> memref<512xi32, #tpu.memory_space<hbm>>
      tpu.wait_dma2 semaphore(%run_scoped3A : memref<!tpu.dma_semaphore, #tpu.memory_space<semaphore_mem>>) src(%dma_wait3A_16 : memref<512xi32, #tpu.memory_space<hbm>>) dst(%arg6 : memref<512xi32, #tpu.memory_space<vmem>>)
      tpu.yield
    }) : () -> ()
    %dma_start3A_7 = arith.constant 0 : i32
    %dma_start3A_8 = arith.constant 0 : i32
    %dma_start3A_9 = tpu.memref_slice %arg2[%dma_start3A_7, %dma_start3A_8] : memref<100000x128xf32, #tpu.memory_space<hbm>> -> memref<100000x128xf32, #tpu.memory_space<hbm>>
    tpu.enqueue_indirect_dma source(%dma_start3A_9 : memref<100000x128xf32, #tpu.memory_space<hbm>>) target(%arg7 : memref<512x128xf32, #tpu.memory_space<vmem>>) offsets(%arg6 : memref<512xi32, #tpu.memory_space<vmem>>) semaphore(%arg8 : memref<!tpu.dma_semaphore, #tpu.memory_space<semaphore_mem>>)
    %dma_wait3A_10 = arith.constant 0 : i32
    %dma_wait3A_11 = arith.constant 0 : i32
    %dma_wait3A_12 = tpu.memref_slice %arg2[%dma_wait3A_10, %dma_wait3A_11] : memref<100000x128xf32, #tpu.memory_space<hbm>> -> memref<100000x128xf32, #tpu.memory_space<hbm>>
    tpu.wait_indirect_dma semaphore(%arg8 : memref<!tpu.dma_semaphore, #tpu.memory_space<semaphore_mem>>) src(%dma_wait3A_12 : memref<100000x128xf32, #tpu.memory_space<hbm>>) dst(%arg7 : memref<512x128xf32, #tpu.memory_space<vmem>>)
    "tpu.region"() ({
      %run_scoped3A = tpu.sem_alloc : memref<!tpu.dma_semaphore, #tpu.memory_space<semaphore_mem>>
      %dma_start3A_13 = arith.constant 128 : i32
      %dma_start3A_14 = tpu.memref_slice %arg5[%mul3A_2, %dma_start3A_13] : memref<16384x256xf32, #tpu.memory_space<hbm>> -> memref<512x128xf32, #tpu.memory_space<hbm>>
      %dma_start3A_15 = arith.constant 128 : i32
      %dma_start3A_16 = tpu.memref_slice %arg5[%mul3A_2, %dma_start3A_15] : memref<16384x256xf32, #tpu.memory_space<hbm>> -> memref<512x128xf32, #tpu.memory_space<hbm>>
      tpu.enqueue_dma source(%arg7 : memref<512x128xf32, #tpu.memory_space<vmem>>) target(%dma_start3A_16 : memref<512x128xf32, #tpu.memory_space<hbm>>) target_semaphore(%run_scoped3A : memref<!tpu.dma_semaphore, #tpu.memory_space<semaphore_mem>>)
      %dma_wait3A_17 = arith.constant 128 : i32
      %dma_wait3A_18 = tpu.memref_slice %arg5[%mul3A_2, %dma_wait3A_17] : memref<16384x256xf32, #tpu.memory_space<hbm>> -> memref<512x128xf32, #tpu.memory_space<hbm>>
      %dma_wait3A_19 = arith.constant 128 : i32
      %dma_wait3A_20 = tpu.memref_slice %arg5[%mul3A_2, %dma_wait3A_19] : memref<16384x256xf32, #tpu.memory_space<hbm>> -> memref<512x128xf32, #tpu.memory_space<hbm>>
      tpu.wait_dma2 semaphore(%run_scoped3A : memref<!tpu.dma_semaphore, #tpu.memory_space<semaphore_mem>>) src(%arg7 : memref<512x128xf32, #tpu.memory_space<vmem>>) dst(%dma_wait3A_20 : memref<512x128xf32, #tpu.memory_space<hbm>>)
      tpu.yield
    }) : () -> ()
    return
  }
}

module attributes {stable_mosaic.version = 14 : i64} {
  func.func @_mlp_body(%arg0: i32, %arg1: memref<4096x256xf32, #tpu.memory_space<vmem>>, %arg2: memref<256x1000xbf16, #tpu.memory_space<vmem>>, %arg3: memref<1x1000xf32, #tpu.memory_space<vmem>>, %arg4: memref<1000x100xbf16, #tpu.memory_space<vmem>>, %arg5: memref<1x100xf32, #tpu.memory_space<vmem>>, %arg6: memref<100x4096xf32, #tpu.memory_space<vmem>>) attributes {dimension_semantics = [#tpu.dimension_semantics<arbitrary>], iteration_bounds = array<i64: 4>, scalar_prefetch = 0 : i64, scratch_operands = 0 : i64, tpu.core_type = #tpu.core_type<tc>, window_params = [{transform_indices = @transform_0, window_bounds = array<i64: 4096, 256>}, {pipeline_mode = #tpu.pipeline_mode<synchronous>, transform_indices = @transform_1, window_bounds = array<i64: 256, 1000>}, {pipeline_mode = #tpu.pipeline_mode<synchronous>, transform_indices = @transform_2, window_bounds = array<i64: 1, 1000>}, {pipeline_mode = #tpu.pipeline_mode<synchronous>, transform_indices = @transform_3, window_bounds = array<i64: 1000, 100>}, {pipeline_mode = #tpu.pipeline_mode<synchronous>, transform_indices = @transform_4, window_bounds = array<i64: 1, 100>}, {transform_indices = @transform_5, window_bounds = array<i64: 100, 4096>}]} {
    %get3A = arith.constant 0 : index
    %get3A_0 = arith.constant 0 : index
    %get3A_1 = vector.load %arg2[%get3A, %get3A_0] : memref<256x1000xbf16, #tpu.memory_space<vmem>>, vector<256x1000xbf16>
    %get3A_2 = arith.constant 0 : index
    %get3A_3 = arith.constant 0 : index
    %get3A_4 = vector.load %arg4[%get3A_2, %get3A_3] : memref<1000x100xbf16, #tpu.memory_space<vmem>>, vector<1000x100xbf16>
    %get3A_5 = arith.constant 0 : index
    %get3A_6 = arith.constant 0 : index
    %get3A_7 = vector.load %arg3[%get3A_5, %get3A_6] : memref<1x1000xf32, #tpu.memory_space<vmem>>, vector<1x1000xf32>
    %get3A_8 = arith.constant 0 : index
    %get3A_9 = arith.constant 0 : index
    %get3A_10 = vector.load %arg5[%get3A_8, %get3A_9] : memref<1x100xf32, #tpu.memory_space<vmem>>, vector<1x100xf32>
    %get3A_11 = arith.constant 0 : index
    %get3A_12 = arith.constant 0 : index
    %get3A_13 = vector.load %arg1[%get3A_11, %get3A_12] : memref<4096x256xf32, #tpu.memory_space<vmem>>, vector<256x256xf32>
    %convert_element_type3A = arith.truncf %get3A_13 : vector<256x256xf32> to vector<256x256xbf16>
    %dot_general3A = arith.constant dense<0.000000e+00> : vector<256x1000xf32>
    %dot_general3A_14 = tpu.matmul %convert_element_type3A, %get3A_1, %dot_general3A {dimension_numbers = #tpu.dot_dimension_numbers<[1], [0], [0], [1], [0, 0, 1, 1], [], []>, transpose_lhs_hint = false} : vector<256x256xbf16>, vector<256x1000xbf16>, vector<256x1000xf32> -> vector<256x1000xf32>
    %add3A = vector.broadcast %get3A_7 : vector<1x1000xf32> to vector<256x1000xf32>
    %add3A_15 = arith.addf %dot_general3A_14, %add3A : vector<256x1000xf32>
    %convert_element_type3A_16 = arith.truncf %add3A_15 : vector<256x1000xf32> to vector<256x1000xbf16>
    %max3A = arith.constant 0.000000e+00 : bf16
    %max3A_17 = vector.broadcast %max3A : bf16 to vector<256x1000xbf16>
    %max3A_18 = arith.maximumf %convert_element_type3A_16, %max3A_17 : vector<256x1000xbf16>
    %dot_general3A_19 = arith.constant dense<0.000000e+00> : vector<256x100xf32>
    %dot_general3A_20 = tpu.matmul %max3A_18, %get3A_4, %dot_general3A_19 {dimension_numbers = #tpu.dot_dimension_numbers<[1], [0], [0], [1], [0, 0, 1, 1], [], []>, transpose_lhs_hint = false} : vector<256x1000xbf16>, vector<1000x100xbf16>, vector<256x100xf32> -> vector<256x100xf32>
    %add3A_21 = vector.broadcast %get3A_10 : vector<1x100xf32> to vector<256x100xf32>
    %add3A_22 = arith.addf %dot_general3A_20, %add3A_21 : vector<256x100xf32>
    %exp3A = math.exp %add3A_22 : vector<256x100xf32>
    %reduce_sum3A = arith.constant dense<0.000000e+00> : vector<256xf32>
    %reduce_sum3A_23 = vector.multi_reduction <add>, %exp3A, %reduce_sum3A [1] : vector<256x100xf32> to vector<256xf32>
    %broadcast_in_dim3A = vector.shape_cast %reduce_sum3A_23 : vector<256xf32> to vector<256x1xf32>
    %div3A = vector.broadcast %broadcast_in_dim3A : vector<256x1xf32> to vector<256x100xf32>
    %div3A_24 = arith.divf %exp3A, %div3A : vector<256x100xf32>
    %transpose3A = tpu.transpose %div3A_24, [1, 0] : vector<256x100xf32> -> vector<100x256xf32>
    %swap3A = arith.constant 0 : index
    %swap3A_25 = arith.constant 0 : index
    %swap3A_26 = vector.load %arg6[%swap3A, %swap3A_25] : memref<100x4096xf32, #tpu.memory_space<vmem>>, vector<100x256xf32>
    tpu.vector_store %arg6[%swap3A, %swap3A_25], %transpose3A {strides = array<i32>} : memref<100x4096xf32, #tpu.memory_space<vmem>>, vector<100x256xf32>,
    %get3A_27 = arith.constant 256 : index
    %get3A_28 = arith.constant 0 : index
    %get3A_29 = vector.load %arg1[%get3A_27, %get3A_28] : memref<4096x256xf32, #tpu.memory_space<vmem>>, vector<256x256xf32>
    %convert_element_type3A_30 = arith.truncf %get3A_29 : vector<256x256xf32> to vector<256x256xbf16>
    %dot_general3A_31 = arith.constant dense<0.000000e+00> : vector<256x1000xf32>
    %dot_general3A_32 = tpu.matmul %convert_element_type3A_30, %get3A_1, %dot_general3A_31 {dimension_numbers = #tpu.dot_dimension_numbers<[1], [0], [0], [1], [0, 0, 1, 1], [], []>, transpose_lhs_hint = false} : vector<256x256xbf16>, vector<256x1000xbf16>, vector<256x1000xf32> -> vector<256x1000xf32>
    %add3A_33 = vector.broadcast %get3A_7 : vector<1x1000xf32> to vector<256x1000xf32>
    %add3A_34 = arith.addf %dot_general3A_32, %add3A_33 : vector<256x1000xf32>
    %convert_element_type3A_35 = arith.truncf %add3A_34 : vector<256x1000xf32> to vector<256x1000xbf16>
    %max3A_36 = arith.constant 0.000000e+00 : bf16
    %max3A_37 = vector.broadcast %max3A_36 : bf16 to vector<256x1000xbf16>
    %max3A_38 = arith.maximumf %convert_element_type3A_35, %max3A_37 : vector<256x1000xbf16>
    %dot_general3A_39 = arith.constant dense<0.000000e+00> : vector<256x100xf32>
    %dot_general3A_40 = tpu.matmul %max3A_38, %get3A_4, %dot_general3A_39 {dimension_numbers = #tpu.dot_dimension_numbers<[1], [0], [0], [1], [0, 0, 1, 1], [], []>, transpose_lhs_hint = false} : vector<256x1000xbf16>, vector<1000x100xbf16>, vector<256x100xf32> -> vector<256x100xf32>
    %add3A_41 = vector.broadcast %get3A_10 : vector<1x100xf32> to vector<256x100xf32>
    %add3A_42 = arith.addf %dot_general3A_40, %add3A_41 : vector<256x100xf32>
    %exp3A_43 = math.exp %add3A_42 : vector<256x100xf32>
    %reduce_sum3A_44 = arith.constant dense<0.000000e+00> : vector<256xf32>
    %reduce_sum3A_45 = vector.multi_reduction <add>, %exp3A_43, %reduce_sum3A_44 [1] : vector<256x100xf32> to vector<256xf32>
    %broadcast_in_dim3A_46 = vector.shape_cast %reduce_sum3A_45 : vector<256xf32> to vector<256x1xf32>
    %div3A_47 = vector.broadcast %broadcast_in_dim3A_46 : vector<256x1xf32> to vector<256x100xf32>
    %div3A_48 = arith.divf %exp3A_43, %div3A_47 : vector<256x100xf32>
    %transpose3A_49 = tpu.transpose %div3A_48, [1, 0] : vector<256x100xf32> -> vector<100x256xf32>
    %swap3A_50 = arith.constant 0 : index
    %swap3A_51 = arith.constant 256 : index
    %swap3A_52 = vector.load %arg6[%swap3A_50, %swap3A_51] : memref<100x4096xf32, #tpu.memory_space<vmem>>, vector<100x256xf32>
    tpu.vector_store %arg6[%swap3A_50, %swap3A_51], %transpose3A_49 {strides = array<i32>} : memref<100x4096xf32, #tpu.memory_space<vmem>>, vector<100x256xf32>,
    %get3A_53 = arith.constant 512 : index
    %get3A_54 = arith.constant 0 : index
    %get3A_55 = vector.load %arg1[%get3A_53, %get3A_54] : memref<4096x256xf32, #tpu.memory_space<vmem>>, vector<256x256xf32>
    %convert_element_type3A_56 = arith.truncf %get3A_55 : vector<256x256xf32> to vector<256x256xbf16>
    %dot_general3A_57 = arith.constant dense<0.000000e+00> : vector<256x1000xf32>
    %dot_general3A_58 = tpu.matmul %convert_element_type3A_56, %get3A_1, %dot_general3A_57 {dimension_numbers = #tpu.dot_dimension_numbers<[1], [0], [0], [1], [0, 0, 1, 1], [], []>, transpose_lhs_hint = false} : vector<256x256xbf16>, vector<256x1000xbf16>, vector<256x1000xf32> -> vector<256x1000xf32>
    %add3A_59 = vector.broadcast %get3A_7 : vector<1x1000xf32> to vector<256x1000xf32>
    %add3A_60 = arith.addf %dot_general3A_58, %add3A_59 : vector<256x1000xf32>
    %convert_element_type3A_61 = arith.truncf %add3A_60 : vector<256x1000xf32> to vector<256x1000xbf16>
    %max3A_62 = arith.constant 0.000000e+00 : bf16
    %max3A_63 = vector.broadcast %max3A_62 : bf16 to vector<256x1000xbf16>
    %max3A_64 = arith.maximumf %convert_element_type3A_61, %max3A_63 : vector<256x1000xbf16>
    %dot_general3A_65 = arith.constant dense<0.000000e+00> : vector<256x100xf32>
    %dot_general3A_66 = tpu.matmul %max3A_64, %get3A_4, %dot_general3A_65 {dimension_numbers = #tpu.dot_dimension_numbers<[1], [0], [0], [1], [0, 0, 1, 1], [], []>, transpose_lhs_hint = false} : vector<256x1000xbf16>, vector<1000x100xbf16>, vector<256x100xf32> -> vector<256x100xf32>
    %add3A_67 = vector.broadcast %get3A_10 : vector<1x100xf32> to vector<256x100xf32>
    %add3A_68 = arith.addf %dot_general3A_66, %add3A_67 : vector<256x100xf32>
    %exp3A_69 = math.exp %add3A_68 : vector<256x100xf32>
    %reduce_sum3A_70 = arith.constant dense<0.000000e+00> : vector<256xf32>
    %reduce_sum3A_71 = vector.multi_reduction <add>, %exp3A_69, %reduce_sum3A_70 [1] : vector<256x100xf32> to vector<256xf32>
    %broadcast_in_dim3A_72 = vector.shape_cast %reduce_sum3A_71 : vector<256xf32> to vector<256x1xf32>
    %div3A_73 = vector.broadcast %broadcast_in_dim3A_72 : vector<256x1xf32> to vector<256x100xf32>
    %div3A_74 = arith.divf %exp3A_69, %div3A_73 : vector<256x100xf32>
    %transpose3A_75 = tpu.transpose %div3A_74, [1, 0] : vector<256x100xf32> -> vector<100x256xf32>
    %swap3A_76 = arith.constant 0 : index
    %swap3A_77 = arith.constant 512 : index
    %swap3A_78 = vector.load %arg6[%swap3A_76, %swap3A_77] : memref<100x4096xf32, #tpu.memory_space<vmem>>, vector<100x256xf32>
    tpu.vector_store %arg6[%swap3A_76, %swap3A_77], %transpose3A_75 {strides = array<i32>} : memref<100x4096xf32, #tpu.memory_space<vmem>>, vector<100x256xf32>,
    %get3A_79 = arith.constant 768 : index
    %get3A_80 = arith.constant 0 : index
    %get3A_81 = vector.load %arg1[%get3A_79, %get3A_80] : memref<4096x256xf32, #tpu.memory_space<vmem>>, vector<256x256xf32>
    %convert_element_type3A_82 = arith.truncf %get3A_81 : vector<256x256xf32> to vector<256x256xbf16>
    %dot_general3A_83 = arith.constant dense<0.000000e+00> : vector<256x1000xf32>
    %dot_general3A_84 = tpu.matmul %convert_element_type3A_82, %get3A_1, %dot_general3A_83 {dimension_numbers = #tpu.dot_dimension_numbers<[1], [0], [0], [1], [0, 0, 1, 1], [], []>, transpose_lhs_hint = false} : vector<256x256xbf16>, vector<256x1000xbf16>, vector<256x1000xf32> -> vector<256x1000xf32>
    %add3A_85 = vector.broadcast %get3A_7 : vector<1x1000xf32> to vector<256x1000xf32>
    %add3A_86 = arith.addf %dot_general3A_84, %add3A_85 : vector<256x1000xf32>
    %convert_element_type3A_87 = arith.truncf %add3A_86 : vector<256x1000xf32> to vector<256x1000xbf16>
    %max3A_88 = arith.constant 0.000000e+00 : bf16
    %max3A_89 = vector.broadcast %max3A_88 : bf16 to vector<256x1000xbf16>
    %max3A_90 = arith.maximumf %convert_element_type3A_87, %max3A_89 : vector<256x1000xbf16>
    %dot_general3A_91 = arith.constant dense<0.000000e+00> : vector<256x100xf32>
    %dot_general3A_92 = tpu.matmul %max3A_90, %get3A_4, %dot_general3A_91 {dimension_numbers = #tpu.dot_dimension_numbers<[1], [0], [0], [1], [0, 0, 1, 1], [], []>, transpose_lhs_hint = false} : vector<256x1000xbf16>, vector<1000x100xbf16>, vector<256x100xf32> -> vector<256x100xf32>
    %add3A_93 = vector.broadcast %get3A_10 : vector<1x100xf32> to vector<256x100xf32>
    %add3A_94 = arith.addf %dot_general3A_92, %add3A_93 : vector<256x100xf32>
    %exp3A_95 = math.exp %add3A_94 : vector<256x100xf32>
    %reduce_sum3A_96 = arith.constant dense<0.000000e+00> : vector<256xf32>
    %reduce_sum3A_97 = vector.multi_reduction <add>, %exp3A_95, %reduce_sum3A_96 [1] : vector<256x100xf32> to vector<256xf32>
    %broadcast_in_dim3A_98 = vector.shape_cast %reduce_sum3A_97 : vector<256xf32> to vector<256x1xf32>
    %div3A_99 = vector.broadcast %broadcast_in_dim3A_98 : vector<256x1xf32> to vector<256x100xf32>
    %div3A_100 = arith.divf %exp3A_95, %div3A_99 : vector<256x100xf32>
    %transpose3A_101 = tpu.transpose %div3A_100, [1, 0] : vector<256x100xf32> -> vector<100x256xf32>
    %swap3A_102 = arith.constant 0 : index
    %swap3A_103 = arith.constant 768 : index
    %swap3A_104 = vector.load %arg6[%swap3A_102, %swap3A_103] : memref<100x4096xf32, #tpu.memory_space<vmem>>, vector<100x256xf32>
    tpu.vector_store %arg6[%swap3A_102, %swap3A_103], %transpose3A_101 {strides = array<i32>} : memref<100x4096xf32, #tpu.memory_space<vmem>>, vector<100x256xf32>,
    %get3A_105 = arith.constant 1024 : index
    %get3A_106 = arith.constant 0 : index
    %get3A_107 = vector.load %arg1[%get3A_105, %get3A_106] : memref<4096x256xf32, #tpu.memory_space<vmem>>, vector<256x256xf32>
    %convert_element_type3A_108 = arith.truncf %get3A_107 : vector<256x256xf32> to vector<256x256xbf16>
    %dot_general3A_109 = arith.constant dense<0.000000e+00> : vector<256x1000xf32>
    %dot_general3A_110 = tpu.matmul %convert_element_type3A_108, %get3A_1, %dot_general3A_109 {dimension_numbers = #tpu.dot_dimension_numbers<[1], [0], [0], [1], [0, 0, 1, 1], [], []>, transpose_lhs_hint = false} : vector<256x256xbf16>, vector<256x1000xbf16>, vector<256x1000xf32> -> vector<256x1000xf32>
    %add3A_111 = vector.broadcast %get3A_7 : vector<1x1000xf32> to vector<256x1000xf32>
    %add3A_112 = arith.addf %dot_general3A_110, %add3A_111 : vector<256x1000xf32>
    %convert_element_type3A_113 = arith.truncf %add3A_112 : vector<256x1000xf32> to vector<256x1000xbf16>
    %max3A_114 = arith.constant 0.000000e+00 : bf16
    %max3A_115 = vector.broadcast %max3A_114 : bf16 to vector<256x1000xbf16>
    %max3A_116 = arith.maximumf %convert_element_type3A_113, %max3A_115 : vector<256x1000xbf16>
    %dot_general3A_117 = arith.constant dense<0.000000e+00> : vector<256x100xf32>
    %dot_general3A_118 = tpu.matmul %max3A_116, %get3A_4, %dot_general3A_117 {dimension_numbers = #tpu.dot_dimension_numbers<[1], [0], [0], [1], [0, 0, 1, 1], [], []>, transpose_lhs_hint = false} : vector<256x1000xbf16>, vector<1000x100xbf16>, vector<256x100xf32> -> vector<256x100xf32>
    %add3A_119 = vector.broadcast %get3A_10 : vector<1x100xf32> to vector<256x100xf32>
    %add3A_120 = arith.addf %dot_general3A_118, %add3A_119 : vector<256x100xf32>
    %exp3A_121 = math.exp %add3A_120 : vector<256x100xf32>
    %reduce_sum3A_122 = arith.constant dense<0.000000e+00> : vector<256xf32>
    %reduce_sum3A_123 = vector.multi_reduction <add>, %exp3A_121, %reduce_sum3A_122 [1] : vector<256x100xf32> to vector<256xf32>
    %broadcast_in_dim3A_124 = vector.shape_cast %reduce_sum3A_123 : vector<256xf32> to vector<256x1xf32>
    %div3A_125 = vector.broadcast %broadcast_in_dim3A_124 : vector<256x1xf32> to vector<256x100xf32>
    %div3A_126 = arith.divf %exp3A_121, %div3A_125 : vector<256x100xf32>
    %transpose3A_127 = tpu.transpose %div3A_126, [1, 0] : vector<256x100xf32> -> vector<100x256xf32>
    %swap3A_128 = arith.constant 0 : index
    %swap3A_129 = arith.constant 1024 : index
    %swap3A_130 = vector.load %arg6[%swap3A_128, %swap3A_129] : memref<100x4096xf32, #tpu.memory_space<vmem>>, vector<100x256xf32>
    tpu.vector_store %arg6[%swap3A_128, %swap3A_129], %transpose3A_127 {strides = array<i32>} : memref<100x4096xf32, #tpu.memory_space<vmem>>, vector<100x256xf32>,
    %get3A_131 = arith.constant 1280 : index
    %get3A_132 = arith.constant 0 : index
    %get3A_133 = vector.load %arg1[%get3A_131, %get3A_132] : memref<4096x256xf32, #tpu.memory_space<vmem>>, vector<256x256xf32>
    %convert_element_type3A_134 = arith.truncf %get3A_133 : vector<256x256xf32> to vector<256x256xbf16>
    %dot_general3A_135 = arith.constant dense<0.000000e+00> : vector<256x1000xf32>
    %dot_general3A_136 = tpu.matmul %convert_element_type3A_134, %get3A_1, %dot_general3A_135 {dimension_numbers = #tpu.dot_dimension_numbers<[1], [0], [0], [1], [0, 0, 1, 1], [], []>, transpose_lhs_hint = false} : vector<256x256xbf16>, vector<256x1000xbf16>, vector<256x1000xf32> -> vector<256x1000xf32>
    %add3A_137 = vector.broadcast %get3A_7 : vector<1x1000xf32> to vector<256x1000xf32>
    %add3A_138 = arith.addf %dot_general3A_136, %add3A_137 : vector<256x1000xf32>
    %convert_element_type3A_139 = arith.truncf %add3A_138 : vector<256x1000xf32> to vector<256x1000xbf16>
    %max3A_140 = arith.constant 0.000000e+00 : bf16
    %max3A_141 = vector.broadcast %max3A_140 : bf16 to vector<256x1000xbf16>
    %max3A_142 = arith.maximumf %convert_element_type3A_139, %max3A_141 : vector<256x1000xbf16>
    %dot_general3A_143 = arith.constant dense<0.000000e+00> : vector<256x100xf32>
    %dot_general3A_144 = tpu.matmul %max3A_142, %get3A_4, %dot_general3A_143 {dimension_numbers = #tpu.dot_dimension_numbers<[1], [0], [0], [1], [0, 0, 1, 1], [], []>, transpose_lhs_hint = false} : vector<256x1000xbf16>, vector<1000x100xbf16>, vector<256x100xf32> -> vector<256x100xf32>
    %add3A_145 = vector.broadcast %get3A_10 : vector<1x100xf32> to vector<256x100xf32>
    %add3A_146 = arith.addf %dot_general3A_144, %add3A_145 : vector<256x100xf32>
    %exp3A_147 = math.exp %add3A_146 : vector<256x100xf32>
    %reduce_sum3A_148 = arith.constant dense<0.000000e+00> : vector<256xf32>
    %reduce_sum3A_149 = vector.multi_reduction <add>, %exp3A_147, %reduce_sum3A_148 [1] : vector<256x100xf32> to vector<256xf32>
    %broadcast_in_dim3A_150 = vector.shape_cast %reduce_sum3A_149 : vector<256xf32> to vector<256x1xf32>
    %div3A_151 = vector.broadcast %broadcast_in_dim3A_150 : vector<256x1xf32> to vector<256x100xf32>
    %div3A_152 = arith.divf %exp3A_147, %div3A_151 : vector<256x100xf32>
    %transpose3A_153 = tpu.transpose %div3A_152, [1, 0] : vector<256x100xf32> -> vector<100x256xf32>
    %swap3A_154 = arith.constant 0 : index
    %swap3A_155 = arith.constant 1280 : index
    %swap3A_156 = vector.load %arg6[%swap3A_154, %swap3A_155] : memref<100x4096xf32, #tpu.memory_space<vmem>>, vector<100x256xf32>
    tpu.vector_store %arg6[%swap3A_154, %swap3A_155], %transpose3A_153 {strides = array<i32>} : memref<100x4096xf32, #tpu.memory_space<vmem>>, vector<100x256xf32>,
    %get3A_157 = arith.constant 1536 : index
    %get3A_158 = arith.constant 0 : index
    %get3A_159 = vector.load %arg1[%get3A_157, %get3A_158] : memref<4096x256xf32, #tpu.memory_space<vmem>>, vector<256x256xf32>
    %convert_element_type3A_160 = arith.truncf %get3A_159 : vector<256x256xf32> to vector<256x256xbf16>
    %dot_general3A_161 = arith.constant dense<0.000000e+00> : vector<256x1000xf32>
    %dot_general3A_162 = tpu.matmul %convert_element_type3A_160, %get3A_1, %dot_general3A_161 {dimension_numbers = #tpu.dot_dimension_numbers<[1], [0], [0], [1], [0, 0, 1, 1], [], []>, transpose_lhs_hint = false} : vector<256x256xbf16>, vector<256x1000xbf16>, vector<256x1000xf32> -> vector<256x1000xf32>
    %add3A_163 = vector.broadcast %get3A_7 : vector<1x1000xf32> to vector<256x1000xf32>
    %add3A_164 = arith.addf %dot_general3A_162, %add3A_163 : vector<256x1000xf32>
    %convert_element_type3A_165 = arith.truncf %add3A_164 : vector<256x1000xf32> to vector<256x1000xbf16>
    %max3A_166 = arith.constant 0.000000e+00 : bf16
    %max3A_167 = vector.broadcast %max3A_166 : bf16 to vector<256x1000xbf16>
    %max3A_168 = arith.maximumf %convert_element_type3A_165, %max3A_167 : vector<256x1000xbf16>
    %dot_general3A_169 = arith.constant dense<0.000000e+00> : vector<256x100xf32>
    %dot_general3A_170 = tpu.matmul %max3A_168, %get3A_4, %dot_general3A_169 {dimension_numbers = #tpu.dot_dimension_numbers<[1], [0], [0], [1], [0, 0, 1, 1], [], []>, transpose_lhs_hint = false} : vector<256x1000xbf16>, vector<1000x100xbf16>, vector<256x100xf32> -> vector<256x100xf32>
    %add3A_171 = vector.broadcast %get3A_10 : vector<1x100xf32> to vector<256x100xf32>
    %add3A_172 = arith.addf %dot_general3A_170, %add3A_171 : vector<256x100xf32>
    %exp3A_173 = math.exp %add3A_172 : vector<256x100xf32>
    %reduce_sum3A_174 = arith.constant dense<0.000000e+00> : vector<256xf32>
    %reduce_sum3A_175 = vector.multi_reduction <add>, %exp3A_173, %reduce_sum3A_174 [1] : vector<256x100xf32> to vector<256xf32>
    %broadcast_in_dim3A_176 = vector.shape_cast %reduce_sum3A_175 : vector<256xf32> to vector<256x1xf32>
    %div3A_177 = vector.broadcast %broadcast_in_dim3A_176 : vector<256x1xf32> to vector<256x100xf32>
    %div3A_178 = arith.divf %exp3A_173, %div3A_177 : vector<256x100xf32>
    %transpose3A_179 = tpu.transpose %div3A_178, [1, 0] : vector<256x100xf32> -> vector<100x256xf32>
    %swap3A_180 = arith.constant 0 : index
    %swap3A_181 = arith.constant 1536 : index
    %swap3A_182 = vector.load %arg6[%swap3A_180, %swap3A_181] : memref<100x4096xf32, #tpu.memory_space<vmem>>, vector<100x256xf32>
    tpu.vector_store %arg6[%swap3A_180, %swap3A_181], %transpose3A_179 {strides = array<i32>} : memref<100x4096xf32, #tpu.memory_space<vmem>>, vector<100x256xf32>,
    %get3A_183 = arith.constant 1792 : index
    %get3A_184 = arith.constant 0 : index
    %get3A_185 = vector.load %arg1[%get3A_183, %get3A_184] : memref<4096x256xf32, #tpu.memory_space<vmem>>, vector<256x256xf32>
    %convert_element_type3A_186 = arith.truncf %get3A_185 : vector<256x256xf32> to vector<256x256xbf16>
    %dot_general3A_187 = arith.constant dense<0.000000e+00> : vector<256x1000xf32>
    %dot_general3A_188 = tpu.matmul %convert_element_type3A_186, %get3A_1, %dot_general3A_187 {dimension_numbers = #tpu.dot_dimension_numbers<[1], [0], [0], [1], [0, 0, 1, 1], [], []>, transpose_lhs_hint = false} : vector<256x256xbf16>, vector<256x1000xbf16>, vector<256x1000xf32> -> vector<256x1000xf32>
    %add3A_189 = vector.broadcast %get3A_7 : vector<1x1000xf32> to vector<256x1000xf32>
    %add3A_190 = arith.addf %dot_general3A_188, %add3A_189 : vector<256x1000xf32>
    %convert_element_type3A_191 = arith.truncf %add3A_190 : vector<256x1000xf32> to vector<256x1000xbf16>
    %max3A_192 = arith.constant 0.000000e+00 : bf16
    %max3A_193 = vector.broadcast %max3A_192 : bf16 to vector<256x1000xbf16>
    %max3A_194 = arith.maximumf %convert_element_type3A_191, %max3A_193 : vector<256x1000xbf16>
    %dot_general3A_195 = arith.constant dense<0.000000e+00> : vector<256x100xf32>
    %dot_general3A_196 = tpu.matmul %max3A_194, %get3A_4, %dot_general3A_195 {dimension_numbers = #tpu.dot_dimension_numbers<[1], [0], [0], [1], [0, 0, 1, 1], [], []>, transpose_lhs_hint = false} : vector<256x1000xbf16>, vector<1000x100xbf16>, vector<256x100xf32> -> vector<256x100xf32>
    %add3A_197 = vector.broadcast %get3A_10 : vector<1x100xf32> to vector<256x100xf32>
    %add3A_198 = arith.addf %dot_general3A_196, %add3A_197 : vector<256x100xf32>
    %exp3A_199 = math.exp %add3A_198 : vector<256x100xf32>
    %reduce_sum3A_200 = arith.constant dense<0.000000e+00> : vector<256xf32>
    %reduce_sum3A_201 = vector.multi_reduction <add>, %exp3A_199, %reduce_sum3A_200 [1] : vector<256x100xf32> to vector<256xf32>
    %broadcast_in_dim3A_202 = vector.shape_cast %reduce_sum3A_201 : vector<256xf32> to vector<256x1xf32>
    %div3A_203 = vector.broadcast %broadcast_in_dim3A_202 : vector<256x1xf32> to vector<256x100xf32>
    %div3A_204 = arith.divf %exp3A_199, %div3A_203 : vector<256x100xf32>
    %transpose3A_205 = tpu.transpose %div3A_204, [1, 0] : vector<256x100xf32> -> vector<100x256xf32>
    %swap3A_206 = arith.constant 0 : index
    %swap3A_207 = arith.constant 1792 : index
    %swap3A_208 = vector.load %arg6[%swap3A_206, %swap3A_207] : memref<100x4096xf32, #tpu.memory_space<vmem>>, vector<100x256xf32>
    tpu.vector_store %arg6[%swap3A_206, %swap3A_207], %transpose3A_205 {strides = array<i32>} : memref<100x4096xf32, #tpu.memory_space<vmem>>, vector<100x256xf32>,
    %get3A_209 = arith.constant 2048 : index
    %get3A_210 = arith.constant 0 : index
    %get3A_211 = vector.load %arg1[%get3A_209, %get3A_210] : memref<4096x256xf32, #tpu.memory_space<vmem>>, vector<256x256xf32>
    %convert_element_type3A_212 = arith.truncf %get3A_211 : vector<256x256xf32> to vector<256x256xbf16>
    %dot_general3A_213 = arith.constant dense<0.000000e+00> : vector<256x1000xf32>
    %dot_general3A_214 = tpu.matmul %convert_element_type3A_212, %get3A_1, %dot_general3A_213 {dimension_numbers = #tpu.dot_dimension_numbers<[1], [0], [0], [1], [0, 0, 1, 1], [], []>, transpose_lhs_hint = false} : vector<256x256xbf16>, vector<256x1000xbf16>, vector<256x1000xf32> -> vector<256x1000xf32>
    %add3A_215 = vector.broadcast %get3A_7 : vector<1x1000xf32> to vector<256x1000xf32>
    %add3A_216 = arith.addf %dot_general3A_214, %add3A_215 : vector<256x1000xf32>
    %convert_element_type3A_217 = arith.truncf %add3A_216 : vector<256x1000xf32> to vector<256x1000xbf16>
    %max3A_218 = arith.constant 0.000000e+00 : bf16
    %max3A_219 = vector.broadcast %max3A_218 : bf16 to vector<256x1000xbf16>
    %max3A_220 = arith.maximumf %convert_element_type3A_217, %max3A_219 : vector<256x1000xbf16>
    %dot_general3A_221 = arith.constant dense<0.000000e+00> : vector<256x100xf32>
    %dot_general3A_222 = tpu.matmul %max3A_220, %get3A_4, %dot_general3A_221 {dimension_numbers = #tpu.dot_dimension_numbers<[1], [0], [0], [1], [0, 0, 1, 1], [], []>, transpose_lhs_hint = false} : vector<256x1000xbf16>, vector<1000x100xbf16>, vector<256x100xf32> -> vector<256x100xf32>
    %add3A_223 = vector.broadcast %get3A_10 : vector<1x100xf32> to vector<256x100xf32>
    %add3A_224 = arith.addf %dot_general3A_222, %add3A_223 : vector<256x100xf32>
    %exp3A_225 = math.exp %add3A_224 : vector<256x100xf32>
    %reduce_sum3A_226 = arith.constant dense<0.000000e+00> : vector<256xf32>
    %reduce_sum3A_227 = vector.multi_reduction <add>, %exp3A_225, %reduce_sum3A_226 [1] : vector<256x100xf32> to vector<256xf32>
    %broadcast_in_dim3A_228 = vector.shape_cast %reduce_sum3A_227 : vector<256xf32> to vector<256x1xf32>
    %div3A_229 = vector.broadcast %broadcast_in_dim3A_228 : vector<256x1xf32> to vector<256x100xf32>
    %div3A_230 = arith.divf %exp3A_225, %div3A_229 : vector<256x100xf32>
    %transpose3A_231 = tpu.transpose %div3A_230, [1, 0] : vector<256x100xf32> -> vector<100x256xf32>
    %swap3A_232 = arith.constant 0 : index
    %swap3A_233 = arith.constant 2048 : index
    %swap3A_234 = vector.load %arg6[%swap3A_232, %swap3A_233] : memref<100x4096xf32, #tpu.memory_space<vmem>>, vector<100x256xf32>
    tpu.vector_store %arg6[%swap3A_232, %swap3A_233], %transpose3A_231 {strides = array<i32>} : memref<100x4096xf32, #tpu.memory_space<vmem>>, vector<100x256xf32>,
    %get3A_235 = arith.constant 2304 : index
    %get3A_236 = arith.constant 0 : index
    %get3A_237 = vector.load %arg1[%get3A_235, %get3A_236] : memref<4096x256xf32, #tpu.memory_space<vmem>>, vector<256x256xf32>
    %convert_element_type3A_238 = arith.truncf %get3A_237 : vector<256x256xf32> to vector<256x256xbf16>
    %dot_general3A_239 = arith.constant dense<0.000000e+00> : vector<256x1000xf32>
    %dot_general3A_240 = tpu.matmul %convert_element_type3A_238, %get3A_1, %dot_general3A_239 {dimension_numbers = #tpu.dot_dimension_numbers<[1], [0], [0], [1], [0, 0, 1, 1], [], []>, transpose_lhs_hint = false} : vector<256x256xbf16>, vector<256x1000xbf16>, vector<256x1000xf32> -> vector<256x1000xf32>
    %add3A_241 = vector.broadcast %get3A_7 : vector<1x1000xf32> to vector<256x1000xf32>
    %add3A_242 = arith.addf %dot_general3A_240, %add3A_241 : vector<256x1000xf32>
    %convert_element_type3A_243 = arith.truncf %add3A_242 : vector<256x1000xf32> to vector<256x1000xbf16>
    %max3A_244 = arith.constant 0.000000e+00 : bf16
    %max3A_245 = vector.broadcast %max3A_244 : bf16 to vector<256x1000xbf16>
    %max3A_246 = arith.maximumf %convert_element_type3A_243, %max3A_245 : vector<256x1000xbf16>
    %dot_general3A_247 = arith.constant dense<0.000000e+00> : vector<256x100xf32>
    %dot_general3A_248 = tpu.matmul %max3A_246, %get3A_4, %dot_general3A_247 {dimension_numbers = #tpu.dot_dimension_numbers<[1], [0], [0], [1], [0, 0, 1, 1], [], []>, transpose_lhs_hint = false} : vector<256x1000xbf16>, vector<1000x100xbf16>, vector<256x100xf32> -> vector<256x100xf32>
    %add3A_249 = vector.broadcast %get3A_10 : vector<1x100xf32> to vector<256x100xf32>
    %add3A_250 = arith.addf %dot_general3A_248, %add3A_249 : vector<256x100xf32>
    %exp3A_251 = math.exp %add3A_250 : vector<256x100xf32>
    %reduce_sum3A_252 = arith.constant dense<0.000000e+00> : vector<256xf32>
    %reduce_sum3A_253 = vector.multi_reduction <add>, %exp3A_251, %reduce_sum3A_252 [1] : vector<256x100xf32> to vector<256xf32>
    %broadcast_in_dim3A_254 = vector.shape_cast %reduce_sum3A_253 : vector<256xf32> to vector<256x1xf32>
    %div3A_255 = vector.broadcast %broadcast_in_dim3A_254 : vector<256x1xf32> to vector<256x100xf32>
    %div3A_256 = arith.divf %exp3A_251, %div3A_255 : vector<256x100xf32>
    %transpose3A_257 = tpu.transpose %div3A_256, [1, 0] : vector<256x100xf32> -> vector<100x256xf32>
    %swap3A_258 = arith.constant 0 : index
    %swap3A_259 = arith.constant 2304 : index
    %swap3A_260 = vector.load %arg6[%swap3A_258, %swap3A_259] : memref<100x4096xf32, #tpu.memory_space<vmem>>, vector<100x256xf32>
    tpu.vector_store %arg6[%swap3A_258, %swap3A_259], %transpose3A_257 {strides = array<i32>} : memref<100x4096xf32, #tpu.memory_space<vmem>>, vector<100x256xf32>,
    %get3A_261 = arith.constant 2560 : index
    %get3A_262 = arith.constant 0 : index
    %get3A_263 = vector.load %arg1[%get3A_261, %get3A_262] : memref<4096x256xf32, #tpu.memory_space<vmem>>, vector<256x256xf32>
    %convert_element_type3A_264 = arith.truncf %get3A_263 : vector<256x256xf32> to vector<256x256xbf16>
    %dot_general3A_265 = arith.constant dense<0.000000e+00> : vector<256x1000xf32>
    %dot_general3A_266 = tpu.matmul %convert_element_type3A_264, %get3A_1, %dot_general3A_265 {dimension_numbers = #tpu.dot_dimension_numbers<[1], [0], [0], [1], [0, 0, 1, 1], [], []>, transpose_lhs_hint = false} : vector<256x256xbf16>, vector<256x1000xbf16>, vector<256x1000xf32> -> vector<256x1000xf32>
    %add3A_267 = vector.broadcast %get3A_7 : vector<1x1000xf32> to vector<256x1000xf32>
    %add3A_268 = arith.addf %dot_general3A_266, %add3A_267 : vector<256x1000xf32>
    %convert_element_type3A_269 = arith.truncf %add3A_268 : vector<256x1000xf32> to vector<256x1000xbf16>
    %max3A_270 = arith.constant 0.000000e+00 : bf16
    %max3A_271 = vector.broadcast %max3A_270 : bf16 to vector<256x1000xbf16>
    %max3A_272 = arith.maximumf %convert_element_type3A_269, %max3A_271 : vector<256x1000xbf16>
    %dot_general3A_273 = arith.constant dense<0.000000e+00> : vector<256x100xf32>
    %dot_general3A_274 = tpu.matmul %max3A_272, %get3A_4, %dot_general3A_273 {dimension_numbers = #tpu.dot_dimension_numbers<[1], [0], [0], [1], [0, 0, 1, 1], [], []>, transpose_lhs_hint = false} : vector<256x1000xbf16>, vector<1000x100xbf16>, vector<256x100xf32> -> vector<256x100xf32>
    %add3A_275 = vector.broadcast %get3A_10 : vector<1x100xf32> to vector<256x100xf32>
    %add3A_276 = arith.addf %dot_general3A_274, %add3A_275 : vector<256x100xf32>
    %exp3A_277 = math.exp %add3A_276 : vector<256x100xf32>
    %reduce_sum3A_278 = arith.constant dense<0.000000e+00> : vector<256xf32>
    %reduce_sum3A_279 = vector.multi_reduction <add>, %exp3A_277, %reduce_sum3A_278 [1] : vector<256x100xf32> to vector<256xf32>
    %broadcast_in_dim3A_280 = vector.shape_cast %reduce_sum3A_279 : vector<256xf32> to vector<256x1xf32>
    %div3A_281 = vector.broadcast %broadcast_in_dim3A_280 : vector<256x1xf32> to vector<256x100xf32>
    %div3A_282 = arith.divf %exp3A_277, %div3A_281 : vector<256x100xf32>
    %transpose3A_283 = tpu.transpose %div3A_282, [1, 0] : vector<256x100xf32> -> vector<100x256xf32>
    %swap3A_284 = arith.constant 0 : index
    %swap3A_285 = arith.constant 2560 : index
    %swap3A_286 = vector.load %arg6[%swap3A_284, %swap3A_285] : memref<100x4096xf32, #tpu.memory_space<vmem>>, vector<100x256xf32>
    tpu.vector_store %arg6[%swap3A_284, %swap3A_285], %transpose3A_283 {strides = array<i32>} : memref<100x4096xf32, #tpu.memory_space<vmem>>, vector<100x256xf32>,
    %get3A_287 = arith.constant 2816 : index
    %get3A_288 = arith.constant 0 : index
    %get3A_289 = vector.load %arg1[%get3A_287, %get3A_288] : memref<4096x256xf32, #tpu.memory_space<vmem>>, vector<256x256xf32>
    %convert_element_type3A_290 = arith.truncf %get3A_289 : vector<256x256xf32> to vector<256x256xbf16>
    %dot_general3A_291 = arith.constant dense<0.000000e+00> : vector<256x1000xf32>
    %dot_general3A_292 = tpu.matmul %convert_element_type3A_290, %get3A_1, %dot_general3A_291 {dimension_numbers = #tpu.dot_dimension_numbers<[1], [0], [0], [1], [0, 0, 1, 1], [], []>, transpose_lhs_hint = false} : vector<256x256xbf16>, vector<256x1000xbf16>, vector<256x1000xf32> -> vector<256x1000xf32>
    %add3A_293 = vector.broadcast %get3A_7 : vector<1x1000xf32> to vector<256x1000xf32>
    %add3A_294 = arith.addf %dot_general3A_292, %add3A_293 : vector<256x1000xf32>
    %convert_element_type3A_295 = arith.truncf %add3A_294 : vector<256x1000xf32> to vector<256x1000xbf16>
    %max3A_296 = arith.constant 0.000000e+00 : bf16
    %max3A_297 = vector.broadcast %max3A_296 : bf16 to vector<256x1000xbf16>
    %max3A_298 = arith.maximumf %convert_element_type3A_295, %max3A_297 : vector<256x1000xbf16>
    %dot_general3A_299 = arith.constant dense<0.000000e+00> : vector<256x100xf32>
    %dot_general3A_300 = tpu.matmul %max3A_298, %get3A_4, %dot_general3A_299 {dimension_numbers = #tpu.dot_dimension_numbers<[1], [0], [0], [1], [0, 0, 1, 1], [], []>, transpose_lhs_hint = false} : vector<256x1000xbf16>, vector<1000x100xbf16>, vector<256x100xf32> -> vector<256x100xf32>
    %add3A_301 = vector.broadcast %get3A_10 : vector<1x100xf32> to vector<256x100xf32>
    %add3A_302 = arith.addf %dot_general3A_300, %add3A_301 : vector<256x100xf32>
    %exp3A_303 = math.exp %add3A_302 : vector<256x100xf32>
    %reduce_sum3A_304 = arith.constant dense<0.000000e+00> : vector<256xf32>
    %reduce_sum3A_305 = vector.multi_reduction <add>, %exp3A_303, %reduce_sum3A_304 [1] : vector<256x100xf32> to vector<256xf32>
    %broadcast_in_dim3A_306 = vector.shape_cast %reduce_sum3A_305 : vector<256xf32> to vector<256x1xf32>
    %div3A_307 = vector.broadcast %broadcast_in_dim3A_306 : vector<256x1xf32> to vector<256x100xf32>
    %div3A_308 = arith.divf %exp3A_303, %div3A_307 : vector<256x100xf32>
    %transpose3A_309 = tpu.transpose %div3A_308, [1, 0] : vector<256x100xf32> -> vector<100x256xf32>
    %swap3A_310 = arith.constant 0 : index
    %swap3A_311 = arith.constant 2816 : index
    %swap3A_312 = vector.load %arg6[%swap3A_310, %swap3A_311] : memref<100x4096xf32, #tpu.memory_space<vmem>>, vector<100x256xf32>
    tpu.vector_store %arg6[%swap3A_310, %swap3A_311], %transpose3A_309 {strides = array<i32>} : memref<100x4096xf32, #tpu.memory_space<vmem>>, vector<100x256xf32>,
    %get3A_313 = arith.constant 3072 : index
    %get3A_314 = arith.constant 0 : index
    %get3A_315 = vector.load %arg1[%get3A_313, %get3A_314] : memref<4096x256xf32, #tpu.memory_space<vmem>>, vector<256x256xf32>
    %convert_element_type3A_316 = arith.truncf %get3A_315 : vector<256x256xf32> to vector<256x256xbf16>
    %dot_general3A_317 = arith.constant dense<0.000000e+00> : vector<256x1000xf32>
    %dot_general3A_318 = tpu.matmul %convert_element_type3A_316, %get3A_1, %dot_general3A_317 {dimension_numbers = #tpu.dot_dimension_numbers<[1], [0], [0], [1], [0, 0, 1, 1], [], []>, transpose_lhs_hint = false} : vector<256x256xbf16>, vector<256x1000xbf16>, vector<256x1000xf32> -> vector<256x1000xf32>
    %add3A_319 = vector.broadcast %get3A_7 : vector<1x1000xf32> to vector<256x1000xf32>
    %add3A_320 = arith.addf %dot_general3A_318, %add3A_319 : vector<256x1000xf32>
    %convert_element_type3A_321 = arith.truncf %add3A_320 : vector<256x1000xf32> to vector<256x1000xbf16>
    %max3A_322 = arith.constant 0.000000e+00 : bf16
    %max3A_323 = vector.broadcast %max3A_322 : bf16 to vector<256x1000xbf16>
    %max3A_324 = arith.maximumf %convert_element_type3A_321, %max3A_323 : vector<256x1000xbf16>
    %dot_general3A_325 = arith.constant dense<0.000000e+00> : vector<256x100xf32>
    %dot_general3A_326 = tpu.matmul %max3A_324, %get3A_4, %dot_general3A_325 {dimension_numbers = #tpu.dot_dimension_numbers<[1], [0], [0], [1], [0, 0, 1, 1], [], []>, transpose_lhs_hint = false} : vector<256x1000xbf16>, vector<1000x100xbf16>, vector<256x100xf32> -> vector<256x100xf32>
    %add3A_327 = vector.broadcast %get3A_10 : vector<1x100xf32> to vector<256x100xf32>
    %add3A_328 = arith.addf %dot_general3A_326, %add3A_327 : vector<256x100xf32>
    %exp3A_329 = math.exp %add3A_328 : vector<256x100xf32>
    %reduce_sum3A_330 = arith.constant dense<0.000000e+00> : vector<256xf32>
    %reduce_sum3A_331 = vector.multi_reduction <add>, %exp3A_329, %reduce_sum3A_330 [1] : vector<256x100xf32> to vector<256xf32>
    %broadcast_in_dim3A_332 = vector.shape_cast %reduce_sum3A_331 : vector<256xf32> to vector<256x1xf32>
    %div3A_333 = vector.broadcast %broadcast_in_dim3A_332 : vector<256x1xf32> to vector<256x100xf32>
    %div3A_334 = arith.divf %exp3A_329, %div3A_333 : vector<256x100xf32>
    %transpose3A_335 = tpu.transpose %div3A_334, [1, 0] : vector<256x100xf32> -> vector<100x256xf32>
    %swap3A_336 = arith.constant 0 : index
    %swap3A_337 = arith.constant 3072 : index
    %swap3A_338 = vector.load %arg6[%swap3A_336, %swap3A_337] : memref<100x4096xf32, #tpu.memory_space<vmem>>, vector<100x256xf32>
    tpu.vector_store %arg6[%swap3A_336, %swap3A_337], %transpose3A_335 {strides = array<i32>} : memref<100x4096xf32, #tpu.memory_space<vmem>>, vector<100x256xf32>,
    %get3A_339 = arith.constant 3328 : index
    %get3A_340 = arith.constant 0 : index
    %get3A_341 = vector.load %arg1[%get3A_339, %get3A_340] : memref<4096x256xf32, #tpu.memory_space<vmem>>, vector<256x256xf32>
    %convert_element_type3A_342 = arith.truncf %get3A_341 : vector<256x256xf32> to vector<256x256xbf16>
    %dot_general3A_343 = arith.constant dense<0.000000e+00> : vector<256x1000xf32>
    %dot_general3A_344 = tpu.matmul %convert_element_type3A_342, %get3A_1, %dot_general3A_343 {dimension_numbers = #tpu.dot_dimension_numbers<[1], [0], [0], [1], [0, 0, 1, 1], [], []>, transpose_lhs_hint = false} : vector<256x256xbf16>, vector<256x1000xbf16>, vector<256x1000xf32> -> vector<256x1000xf32>
    %add3A_345 = vector.broadcast %get3A_7 : vector<1x1000xf32> to vector<256x1000xf32>
    %add3A_346 = arith.addf %dot_general3A_344, %add3A_345 : vector<256x1000xf32>
    %convert_element_type3A_347 = arith.truncf %add3A_346 : vector<256x1000xf32> to vector<256x1000xbf16>
    %max3A_348 = arith.constant 0.000000e+00 : bf16
    %max3A_349 = vector.broadcast %max3A_348 : bf16 to vector<256x1000xbf16>
    %max3A_350 = arith.maximumf %convert_element_type3A_347, %max3A_349 : vector<256x1000xbf16>
    %dot_general3A_351 = arith.constant dense<0.000000e+00> : vector<256x100xf32>
    %dot_general3A_352 = tpu.matmul %max3A_350, %get3A_4, %dot_general3A_351 {dimension_numbers = #tpu.dot_dimension_numbers<[1], [0], [0], [1], [0, 0, 1, 1], [], []>, transpose_lhs_hint = false} : vector<256x1000xbf16>, vector<1000x100xbf16>, vector<256x100xf32> -> vector<256x100xf32>
    %add3A_353 = vector.broadcast %get3A_10 : vector<1x100xf32> to vector<256x100xf32>
    %add3A_354 = arith.addf %dot_general3A_352, %add3A_353 : vector<256x100xf32>
    %exp3A_355 = math.exp %add3A_354 : vector<256x100xf32>
    %reduce_sum3A_356 = arith.constant dense<0.000000e+00> : vector<256xf32>
    %reduce_sum3A_357 = vector.multi_reduction <add>, %exp3A_355, %reduce_sum3A_356 [1] : vector<256x100xf32> to vector<256xf32>
    %broadcast_in_dim3A_358 = vector.shape_cast %reduce_sum3A_357 : vector<256xf32> to vector<256x1xf32>
    %div3A_359 = vector.broadcast %broadcast_in_dim3A_358 : vector<256x1xf32> to vector<256x100xf32>
    %div3A_360 = arith.divf %exp3A_355, %div3A_359 : vector<256x100xf32>
    %transpose3A_361 = tpu.transpose %div3A_360, [1, 0] : vector<256x100xf32> -> vector<100x256xf32>
    %swap3A_362 = arith.constant 0 : index
    %swap3A_363 = arith.constant 3328 : index
    %swap3A_364 = vector.load %arg6[%swap3A_362, %swap3A_363] : memref<100x4096xf32, #tpu.memory_space<vmem>>, vector<100x256xf32>
    tpu.vector_store %arg6[%swap3A_362, %swap3A_363], %transpose3A_361 {strides = array<i32>} : memref<100x4096xf32, #tpu.memory_space<vmem>>, vector<100x256xf32>,
    %get3A_365 = arith.constant 3584 : index
    %get3A_366 = arith.constant 0 : index
    %get3A_367 = vector.load %arg1[%get3A_365, %get3A_366] : memref<4096x256xf32, #tpu.memory_space<vmem>>, vector<256x256xf32>
    %convert_element_type3A_368 = arith.truncf %get3A_367 : vector<256x256xf32> to vector<256x256xbf16>
    %dot_general3A_369 = arith.constant dense<0.000000e+00> : vector<256x1000xf32>
    %dot_general3A_370 = tpu.matmul %convert_element_type3A_368, %get3A_1, %dot_general3A_369 {dimension_numbers = #tpu.dot_dimension_numbers<[1], [0], [0], [1], [0, 0, 1, 1], [], []>, transpose_lhs_hint = false} : vector<256x256xbf16>, vector<256x1000xbf16>, vector<256x1000xf32> -> vector<256x1000xf32>
    %add3A_371 = vector.broadcast %get3A_7 : vector<1x1000xf32> to vector<256x1000xf32>
    %add3A_372 = arith.addf %dot_general3A_370, %add3A_371 : vector<256x1000xf32>
    %convert_element_type3A_373 = arith.truncf %add3A_372 : vector<256x1000xf32> to vector<256x1000xbf16>
    %max3A_374 = arith.constant 0.000000e+00 : bf16
    %max3A_375 = vector.broadcast %max3A_374 : bf16 to vector<256x1000xbf16>
    %max3A_376 = arith.maximumf %convert_element_type3A_373, %max3A_375 : vector<256x1000xbf16>
    %dot_general3A_377 = arith.constant dense<0.000000e+00> : vector<256x100xf32>
    %dot_general3A_378 = tpu.matmul %max3A_376, %get3A_4, %dot_general3A_377 {dimension_numbers = #tpu.dot_dimension_numbers<[1], [0], [0], [1], [0, 0, 1, 1], [], []>, transpose_lhs_hint = false} : vector<256x1000xbf16>, vector<1000x100xbf16>, vector<256x100xf32> -> vector<256x100xf32>
    %add3A_379 = vector.broadcast %get3A_10 : vector<1x100xf32> to vector<256x100xf32>
    %add3A_380 = arith.addf %dot_general3A_378, %add3A_379 : vector<256x100xf32>
    %exp3A_381 = math.exp %add3A_380 : vector<256x100xf32>
    %reduce_sum3A_382 = arith.constant dense<0.000000e+00> : vector<256xf32>
    %reduce_sum3A_383 = vector.multi_reduction <add>, %exp3A_381, %reduce_sum3A_382 [1] : vector<256x100xf32> to vector<256xf32>
    %broadcast_in_dim3A_384 = vector.shape_cast %reduce_sum3A_383 : vector<256xf32> to vector<256x1xf32>
    %div3A_385 = vector.broadcast %broadcast_in_dim3A_384 : vector<256x1xf32> to vector<256x100xf32>
    %div3A_386 = arith.divf %exp3A_381, %div3A_385 : vector<256x100xf32>
    %transpose3A_387 = tpu.transpose %div3A_386, [1, 0] : vector<256x100xf32> -> vector<100x256xf32>
    %swap3A_388 = arith.constant 0 : index
    %swap3A_389 = arith.constant 3584 : index
    %swap3A_390 = vector.load %arg6[%swap3A_388, %swap3A_389] : memref<100x4096xf32, #tpu.memory_space<vmem>>, vector<100x256xf32>
    tpu.vector_store %arg6[%swap3A_388, %swap3A_389], %transpose3A_387 {strides = array<i32>} : memref<100x4096xf32, #tpu.memory_space<vmem>>, vector<100x256xf32>,
    %get3A_391 = arith.constant 3840 : index
    %get3A_392 = arith.constant 0 : index
    %get3A_393 = vector.load %arg1[%get3A_391, %get3A_392] : memref<4096x256xf32, #tpu.memory_space<vmem>>, vector<256x256xf32>
    %convert_element_type3A_394 = arith.truncf %get3A_393 : vector<256x256xf32> to vector<256x256xbf16>
    %dot_general3A_395 = arith.constant dense<0.000000e+00> : vector<256x1000xf32>
    %dot_general3A_396 = tpu.matmul %convert_element_type3A_394, %get3A_1, %dot_general3A_395 {dimension_numbers = #tpu.dot_dimension_numbers<[1], [0], [0], [1], [0, 0, 1, 1], [], []>, transpose_lhs_hint = false} : vector<256x256xbf16>, vector<256x1000xbf16>, vector<256x1000xf32> -> vector<256x1000xf32>
    %add3A_397 = vector.broadcast %get3A_7 : vector<1x1000xf32> to vector<256x1000xf32>
    %add3A_398 = arith.addf %dot_general3A_396, %add3A_397 : vector<256x1000xf32>
    %convert_element_type3A_399 = arith.truncf %add3A_398 : vector<256x1000xf32> to vector<256x1000xbf16>
    %max3A_400 = arith.constant 0.000000e+00 : bf16
    %max3A_401 = vector.broadcast %max3A_400 : bf16 to vector<256x1000xbf16>
    %max3A_402 = arith.maximumf %convert_element_type3A_399, %max3A_401 : vector<256x1000xbf16>
    %dot_general3A_403 = arith.constant dense<0.000000e+00> : vector<256x100xf32>
    %dot_general3A_404 = tpu.matmul %max3A_402, %get3A_4, %dot_general3A_403 {dimension_numbers = #tpu.dot_dimension_numbers<[1], [0], [0], [1], [0, 0, 1, 1], [], []>, transpose_lhs_hint = false} : vector<256x1000xbf16>, vector<1000x100xbf16>, vector<256x100xf32> -> vector<256x100xf32>
    %add3A_405 = vector.broadcast %get3A_10 : vector<1x100xf32> to vector<256x100xf32>
    %add3A_406 = arith.addf %dot_general3A_404, %add3A_405 : vector<256x100xf32>
    %exp3A_407 = math.exp %add3A_406 : vector<256x100xf32>
    %reduce_sum3A_408 = arith.constant dense<0.000000e+00> : vector<256xf32>
    %reduce_sum3A_409 = vector.multi_reduction <add>, %exp3A_407, %reduce_sum3A_408 [1] : vector<256x100xf32> to vector<256xf32>
    %broadcast_in_dim3A_410 = vector.shape_cast %reduce_sum3A_409 : vector<256xf32> to vector<256x1xf32>
    %div3A_411 = vector.broadcast %broadcast_in_dim3A_410 : vector<256x1xf32> to vector<256x100xf32>
    %div3A_412 = arith.divf %exp3A_407, %div3A_411 : vector<256x100xf32>
    %transpose3A_413 = tpu.transpose %div3A_412, [1, 0] : vector<256x100xf32> -> vector<100x256xf32>
    %swap3A_414 = arith.constant 0 : index
    %swap3A_415 = arith.constant 3840 : index
    %swap3A_416 = vector.load %arg6[%swap3A_414, %swap3A_415] : memref<100x4096xf32, #tpu.memory_space<vmem>>, vector<100x256xf32>
    tpu.vector_store %arg6[%swap3A_414, %swap3A_415], %transpose3A_413 {strides = array<i32>} : memref<100x4096xf32, #tpu.memory_space<vmem>>, vector<100x256xf32>,
    return
  }
  func.func @transform_0(%arg0: i32) -> (i32, i32) {
    %c0_i32 = arith.constant 0 : i32
    %c0_i32_0 = arith.constant 0 : i32
    return %arg0, %c0_i32 : i32, i32
  }
  func.func @transform_1(%arg0: i32) -> (i32, i32) {
    %c0_i32 = arith.constant 0 : i32
    %c0_i32_0 = arith.constant 0 : i32
    %c0_i32_1 = arith.constant 0 : i32
    return %c0_i32, %c0_i32_0 : i32, i32
  }
  func.func @transform_2(%arg0: i32) -> (i32, i32) {
    %c0_i32 = arith.constant 0 : i32
    %c0_i32_0 = arith.constant 0 : i32
    %c0_i32_1 = arith.constant 0 : i32
    return %c0_i32, %c0_i32_0 : i32, i32
  }
  func.func @transform_3(%arg0: i32) -> (i32, i32) {
    %c0_i32 = arith.constant 0 : i32
    %c0_i32_0 = arith.constant 0 : i32
    %c0_i32_1 = arith.constant 0 : i32
    return %c0_i32, %c0_i32_0 : i32, i32
  }
  func.func @transform_4(%arg0: i32) -> (i32, i32) {
    %c0_i32 = arith.constant 0 : i32
    %c0_i32_0 = arith.constant 0 : i32
    %c0_i32_1 = arith.constant 0 : i32
    return %c0_i32, %c0_i32_0 : i32, i32
  }
  func.func @transform_5(%arg0: i32) -> (i32, i32) {
    %c0_i32 = arith.constant 0 : i32
    %c0_i32_0 = arith.constant 0 : i32
    return %c0_i32, %arg0 : i32, i32
  }
}

</mosaic_0001>

<sc_bundles>
// kernel: kernel.4.cloned.1.call-start
scs
__scs_entry_jumppad:
0x0: {  	(pc) =	sbr.rel $0x88, $3  }
0x1: {  	(tag) =	ssettag $0x0;
	lr =	simm.s32 $0x1  }
0x2: {  	[smem:$0x3F9A] =	sst lr;
	_ =	strace $0xD0000000  }
0x3: {  	_ = 	snop  }
0x4: {  	_ = 	snop  }
0x5: {  	_ = 	snop  }
0x6: {  	_ = 	snop  }
0x7: {  	_ = 	snop  }
__scs_overlays_trampoline_lowered:
0x8: {  	[smem:$0x3FA9] =	sst s0  }
0x9: {  	[smem:$0x3FAA] =	sst s1  }
0xa: {  	[smem:$0x3FAB] =	sst s2  }
0xb: {  	[smem:$0x3FAC] =	sst s3  }
0xc: {  	[smem:$0x3FAD] =	sst s4  }
0xd: {  	[smem:$0x3FAE] =	sst s5  }
0xe: {  	[smem:$0x3FAF] =	sst s6  }
0xf: {  	[smem:$0x3FB0] =	sst s7  }
0x10: {  	[smem:$0x3FB1] =	sst s8  }
0x11: {  	[smem:$0x3FB2] =	sst s9;
	s0 =	simm.s32 @!p0 $0x0  }
0x12: {  	s1 =	sld [smem:$0x3F98];
	s0 =	simm.s32 @p0 $0x1  }
0x13: {  	[smem:$0x3FB3] =	sst s0;
	s0 =	simm.s32 @!p1 $0x0  }
0x14: {  	s2 =	sld [smem:$0x3F97];
	s0 =	simm.s32 @p1 $0x1  }
0x15: {  	[smem:$0x3FB4] =	sst s0;
	s0 =	simm.s32 @!p2 $0x0  }
0x16: {  	s3 =	sld [smem:$0x3FDB];
	s0 =	simm.s32 @p2 $0x1  }
0x17: {  	s4 =	simm.s32 $0x1BF5;
	[smem:$0x3FB6] =	sst s0  }
0x18: {  	s0 =	sld [smem:$0x3F99];
	_ =	swait.ge [sflag:s4], $0x0  }
0x19: {  	s7 =	sld [smem:$0x3F9A]  }
0x1a: {  	s8 =	sadd.s32 $0xFFFFE003, lr  }
0x1b: {  	s9 =	sadd.s32 $0xFFFFFEF7, lr;
	s5 =	simm.s32 $0xFFFFFFFF;
	p2 =	slt.u32 s8, $0xFFFFF086  }
0x1c: {  	p1 =	slt.u32 s9, $0xF7A;
	s5 =	simm.s32 @!p2 $0x0  }
0x1d: {  	s5 =	simm.s32 @p1 $0x1;
	p0 =	seq.s32 s7, s2  }
0x1e: {  	s7 =	smul.u32 @!p0 $0xF7A, s2;
	p2 =	seq.s32 @!p0 s5, $0x0  }
0x1f: {  	s9 =	smul.u32 $0xF7A, s1;
	s8 =	simm.s32 @!p0 $0x1BF5;
	p2 =	por !p2, p0  }
0x20: {  	[sflag:s8] =	ssyncset.s32 @!p0 $0xFFFFF086;
	s6 =	sadd.s32 @!p0 s3, s7;
	s7 =	simm.s32 @!p0 $0x108  }
0x21: {  	s3 =	sadd.s32 s3, s9;
	s6 =	sadd.s32 @!p0 $0x88, s6;
	s7 =	simm.s32 @p2 $0x1082  }
0x22: {  	[simem:s7], [sflag:s8] =	dma.local @!p0 [hbm:s6], $0xF7A  }
0x23: {  	s9 =	sor.u32 $0xD0000000, s2;
	s6 =	simm.s32 $0x108;
	_ =	swait.ge @!p0 [sflag:s8], $0x0  }
0x24: {  	s3 =	sadd.s32 $0x88, s3;
	s6 =	simm.s32 @!p1 $0x1082;
	[sflag:s4] =	ssyncset.s32 $0xFFFFF086  }
0x25: {  	[simem:s6], [sflag:s4] =	dma.local [hbm:s3], $0xF7A  }
0x26: {  	[smem:$0x3F9A] =	sst s1;
	(tag) =	ssettag s2;
	_ =	strace s9  }
0x27: {  	s1 =	sld [smem:$0x3FAA]  }
0x28: {  	s2 =	sld [smem:$0x3FAB]  }
0x29: {  	s4 =	sld [smem:$0x3FAD]  }
0x2a: {  	p0 =	seq.s32 s5, $0x0;
	s5 =	sld [smem:$0x3FAE]  }
0x2b: {  	s6 =	sld [smem:$0x3FAF]  }
0x2c: {  	s7 =	sld [smem:$0x3FB0]  }
0x2d: {  	s3 =	simm.s32 $0x108;
	s8 =	sld [smem:$0x3FB1]  }
0x2e: {  	s3 =	simm.s32 @!p0 $0x1082;
	s9 =	sld [smem:$0x3FB2]  }
0x2f: {  	lr =	sadd.s32 s0, s3;
	s0 =	sld [smem:$0x3FA9]  }
0x30: {  	s3 =	sld [smem:$0x3FAC]  }
0x31: {  	[smem:$0x3FB5] =	sst s10  }
0x32: {  	s10 =	sld [smem:$0x3FB3];
	_ =	sdelay $0x3  }
0x33: {  	p0 =	seq.s32 s10, $0x1;
	s10 =	sld [smem:$0x3FB5];
	_ =	sdelay $0x3  }
0x34: {  	[smem:$0x3FB5] =	sst s10  }
0x35: {  	s10 =	sld [smem:$0x3FB4];
	_ =	sdelay $0x3  }
0x36: {  	p1 =	seq.s32 s10, $0x1;
	s10 =	sld [smem:$0x3FB5];
	_ =	sdelay $0x3  }
0x37: {  	[smem:$0x3FB5] =	sst s10  }
0x38: {  	s10 =	sld [smem:$0x3FB6]  }
0x39: {  	_ = 	snop;
	(pc) =	sbr.ind lr, $3  }
0x3a: {  	_ = 	snop  }
0x3b: {  	_ = 	snop  }
0x3c: {  	p2 =	seq.s32 s10, $0x1;
	s10 =	sld [smem:$0x3FB5]  }
0x3d: {  	_ =	shalt  }
0x3e: {  	_ =	shalt  }
0x3f: {  	_ =	shalt  }
0x40: {  	_ =	shalt  }
0x41: {  	_ =	shalt  }
0x42: {  	_ =	shalt  }
0x43: {  	_ =	shalt  }
0x44: {  	_ =	shalt  }
0x45: {  	_ =	shalt  }
0x46: {  	_ =	shalt  }
0x47: {  	_ =	shalt  }
0x48: {  	_ =	shalt  }
0x49: {  	_ =	shalt  }
0x4a: {  	_ =	shalt  }
0x4b: {  	_ =	shalt  }
0x4c: {  	_ =	shalt  }
0x4d: {  	_ =	shalt  }
0x4e: {  	_ =	shalt  }
0x4f: {  	_ =	shalt  }
0x50: {  	_ =	shalt  }
0x51: {  	_ =	shalt  }
0x52: {  	_ =	shalt  }
0x53: {  	_ =	shalt  }
0x54: {  	_ =	shalt  }
0x55: {  	_ =	shalt  }
0x56: {  	_ =	shalt  }
0x57: {  	_ =	shalt  }
0x58: {  	_ =	shalt  }
0x59: {  	_ =	shalt  }
0x5a: {  	_ =	shalt  }
0x5b: {  	_ =	shalt  }
0x5c: {  	_ =	shalt  }
0x5d: {  	_ =	shalt  }
0x5e: {  	_ =	shalt  }
0x5f: {  	_ =	shalt  }
0x60: {  	_ =	shalt  }
0x61: {  	_ =	shalt  }
0x62: {  	_ =	shalt  }
0x63: {  	_ =	shalt  }
0x64: {  	_ =	shalt  }
0x65: {  	_ =	shalt  }
0x66: {  	_ =	shalt  }
0x67: {  	_ =	shalt  }
0x68: {  	_ =	shalt  }
0x69: {  	_ =	shalt  }
0x6a: {  	_ =	shalt  }
0x6b: {  	_ =	shalt  }
0x6c: {  	_ =	shalt  }
0x6d: {  	_ =	shalt  }
0x6e: {  	_ =	shalt  }
0x6f: {  	_ =	shalt  }
0x70: {  	_ =	shalt  }
0x71: {  	_ =	shalt  }
0x72: {  	_ =	shalt  }
0x73: {  	_ =	shalt  }
0x74: {  	_ =	shalt  }
0x75: {  	_ =	shalt  }
0x76: {  	_ =	shalt  }
0x77: {  	_ =	shalt  }
0x78: {  	_ =	shalt  }
0x79: {  	_ =	shalt  }
0x7a: {  	_ =	shalt  }
0x7b: {  	_ =	shalt  }
0x7c: {  	_ =	shalt  }
0x7d: {  	_ =	shalt  }
0x7e: {  	_ =	shalt  }
0x7f: {  	_ =	shalt  }
0x80: {  	_ =	shalt  }
0x81: {  	_ =	shalt  }
0x82: {  	_ =	shalt  }
0x83: {  	_ =	shalt  }
0x84: {  	_ =	shalt  }
0x85: {  	_ =	shalt  }
0x86: {  	_ =	shalt  }
0x87: {  	_ =	shalt  }
.Lfunc_end0:
.L_simem_size_0:
called_computation_lowered:
.L_overlay_start_0:
0x88: {  	s2 =	sld [smem:$0x3FD9]  }
0x89: {  	s3 =	sld [smem:$0x3FFE];
	_ =	sdelay $0x1  }
0x8a: {  	s1 =	srdreg.scid  }
0x8b: {  	s0 =	sand.u32 $0x1, s1  }
0x8c: {  	s17 =	sshll.u32 s0, $0xA;
	s2 =	sadd.s32 s3, s2  }
0x8d: {  	s2 =	sadd.s32 s2, s17  }
0x8e: {  	[smem:$0x3FC1] =	sst s2  }
0x8f: {  	_ = 	snop  }
0x90: {  	s2 =	sld [smem:$0x3FC9]  }
0x91: {  	s18 =	sld [smem:$0x3FC8]  }
0x92: {  	s4 =	sld [smem:$0x3FC7];
	(tm) =	ssettm $0x1  }
0x93: {  	s5 =	sld [smem:$0x3FFB];
	_ =	sdelay $0x3  }
0x94: {  	_ =	strace s5  }
0x95: {  	s5 =	sld [smem:$0x3FFC];
	_ =	sdelay $0x3  }
0x96: {  	_ =	strace s5  }
0x97: {  	s5 =	sld [smem:$0x3FFD];
	_ =	sdelay $0x3  }
0x98: {  	_ =	strace s5  }
0x99: {  	_ =	strace $0x8FFFFFFF  }
0x9a: {  	s19 =	sld [smem:$0x3FDB];
	_ =	sdelay $0x1  }
0x9b: {  	s6 =	simm.s32 $_scs_section_size  }
0x9c: {  	s7 =	simm.s32 $_size__tile_overlayer_lowered;
	s8 =	simm.s32 $_tile_overlayer_lowered  }
0x9d: {  	s22 =	simm.s32 $0x1BFF;
	s21 =	sshll.u32 s8, $0x1;
	s5 =	sadd.s32 s6, s19  }
0x9e: {  	s9 =	simm.s32 $0x0;
	s20 =	sshll.u32 s7, $0x1;
	s7 =	sadd.s32 s21, s5  }
0x9f: {  	[timem:s9], [sflag:s22] =	dma.local [hbm:s7], s20  }
0xa0: {  	_ =	swait.ge [sflag:s22], s20  }
0xa1: {  	s6 =	ssub.s32 $0x0, s20;
	[sflag:s22] =	ssyncset.done $0x0  }
0xa2: {  	[sflag:s22] =	ssyncadd.s32 s6;
	_ =	sdelay $0x1  }
0xa3: {  	s23 =	simm.s32 $0x1B8B  }
0xa4: {  	_ =	swait.ge [sflag:s23], $0x1  }
0xa5: {  	[sflag:s23] =	ssyncset.done $0x0  }
0xa6: {  	s25 =	simm.s32 $0x1B8E;
	s24 =	sld [smem:$0x3FFE];
	[sflag:s23] =	ssyncadd.s32 $0xFFFFFFFF  }
0xa7: {  	s26 =	simm.s32 $execute0_lowered;
	[smem:$0x3FD2] =	sst s25  }
0xa8: {  	s7 =	sshll.u32 s26, $0x1;
	_ =	strace $0x80000046;
	[dreg:$0x1] =	wrdreg $0xFFFFFFFF  }
0xa9: {  	s28 =	simm.s32 $_size_execute0_lowered;
	s5 =	sadd.s32 s5, s7;
	[dreg:$0x0] =	wrdreg $0x0  }
0xaa: {  	s7 =	sshll.u32 s28, $0x1;
	[dreg:$0x2] =	wrdreg s5  }
0xab: {  	[dreg:$0x3] =	wrdreg s7  }
0xac: {  	[dreg:$0x4] =	wrdreg $0xC0  }
0xad: {  	_ =	task [dreg:s9], $0x5FFFF  }
0xae: {  	[dreg:$0x1] =	wrdreg $0xFFFFFFFF  }
0xaf: {  	[dreg:$0x0] =	wrdreg $0x60  }
0xb0: {  	[dreg:$0x2] =	wrdreg s4  }
0xb1: {  	[dreg:$0x3] =	wrdreg s2  }
0xb2: {  	[dreg:$0x4] =	wrdreg s18  }
0xb3: {  	[dreg:$0x5] =	wrdreg s24  }
0xb4: {  	[dreg:$0x6] =	wrdreg $0x9  }
0xb5: {  	_ =	task.clear_ibuf [dreg:s9], $0x7FFFF;
	_ =	strace $0x90000046  }
0xb6: {  	s29 =	simm.s32 $0x9;
	_ =	strace $0x80000048  }
0xb7: {  	_ =	swait.ge [sflag:s29], $0x1  }
0xb8: {  	[sflag:s29] =	ssyncadd.s32 $0xFFFFFFFF  }
0xb9: {  	_ =	strace $0x90000048  }
0xba: {  	_ =	sfence  }
0xbb: {  	s30 =	sld [smem:$0x0];
	_ =	sdelay $0x2  }
0xbc: {  	s31 =	sshll.u32 s1, $0xD;
	s1 =	sshrl.u32 s1, $0x2  }
0xbd: {  	s3 =	sand.u32 $0x4000, s31;
	s1 =	sadd.s32 s1, s30  }
0xbe: {  	s0 =	sor.u32 s3, s0;
	s1 =	sshll.u32 s1, $0x11  }
0xbf: {  	s0 =	sor.u32 s1, s0  }
0xc0: {  	s0 =	sadd.s32 $0x8F2B, s0  }
0xc1: {  	[sflag:s0] =	ssyncadd.remote.s32 $0x1  }
0xc2: {  	_ =	sfence.sel $0xFFFF  }
0xc3: {  	[dreg:$0x0] =	wrdreg $0xFFFFFFFF;
	(pc) =	sbr.abs _section_cstart, $3  }
0xc4: {  	[dreg:$0x1] =	wrdreg $0xFFFFFFFF  }
0xc5: {  	_ =	task.clear_ibuf [dreg:s9], $0x2FFFF;
	_ =	strace $0x9FFFFFFF  }
0xc6: {  	(tm) =	ssettm $0x7FFFFFFF  }
0xc7: {  	_ =	shalt  }
tec
execute0_lowered:
.L_overlay_start_1:
0x0: {  	(tag) =	ssettag $0x1  }
0x1: {  	s1 =	rddreg [dreg:$0x0]  }
0x2: {  	s4 =	rddreg [dreg:$0x1];
	s2 =	srdreg.scid  }
0x3: {  	s11 =	rddreg [dreg:$0x2];
	s0 =	stileid.u32;
	s12 =	sand.u32 $0x1, s2  }
0x4: {  	s8 =	rddreg [dreg:$0x3];
	s5 =	sshll.u32 s0, $0xA;
	s6 =	sshll.u32 s12, $0x9  }
0x5: {  	s3 =	simm.s32 $0x0;
	s2 =	rddreg [dreg:$0x4];
	s6 =	sor.u32 s6, s5  }
0x6: {  	[smem:$0x7FF] =	sst s3;
	s13 =	sshrl.u32 s6, $0x3  }
0x7: {  	_ =	strace $0x80000047;
	s5 =	sadd.s32 s4, s13;
	s4 =	simm.s32 $0x2  }
0x8: {  	[tilespmem:s3], [sflag:$0x2] =	stream.linear.gather [hbm4b:s5+s3], $0x200, $0x38;
	[tilespmem:$0x10200] =	vst v63  }
0x9: {  	_ =	swait.ge [sflag:s4], $0x200  }
0xa: {  	s7 =	simm.s32 $0x1;
	[sflag:s4] =	ssyncset.done $0x0  }
0xb: {  	s9 =	sshll.u32 s6, $0x5;
	s6 =	simm.s32 $0x200;
	[sflag:s4] =	ssyncadd.s32 $0xFFFFFE00  }
0xc: {  	[tilespmem:s6], [sflag:$0x1] =	stream.indirect.gather [hbm4b:s1+s6], $0x80, s3, s6, $0xb8;
	[tilespmem:$0x10200] =	vst v63  }
0xd: {  	_ =	swait.ge [sflag:s7], $0x10000  }
0xe: {  	s10 =	simm.s32 $0x800;
	s14 =	sadd.s32 s9, s8;
	[sflag:s7] =	ssyncset.done $0x0  }
0xf: {  	s9 =	simm.s32 $0x400;
	s8 =	sadd.s32 $0xE00, s14;
	[sflag:s7] =	ssyncadd.s32 $0xFFFF0000  }
0x10: {  	[hbm4b:s8+s9] =	stream.strided.scatter [tilespmem:s6], [sflag:$0x2], $0x10000, s10, s9, $0x38;
	[tilespmem:$0x10200] =	vst v63  }
0x11: {  	_ =	swait.ge [sflag:s4], $0x10000  }
0x12: {  	[sflag:s4] =	ssyncset.done $0x0  }
0x13: {  	s12 =	ssub.s32 $0x2, s12;
	s11 =	sadd.s32 s11, s13;
	[sflag:s4] =	ssyncadd.s32 $0xFFFF0000  }
0x14: {  	[tilespmem:s3], [sflag:$0x2] =	stream.linear.gather [hbm4b:s11+s3], $0x200, $0x38;
	[tilespmem:$0x10200] =	vst v63  }
0x15: {  	s31 =	sshrl.u32 s12, $0x1;
	_ =	swait.ge [sflag:s4], $0x200  }
0x16: {  	s13 =	ssub.s32 s12, s31;
	[sflag:s4] =	ssyncset.done $0x0  }
0x17: {  	s13 =	smax.u32 s13, $0x1;
	[sflag:s4] =	ssyncadd.s32 $0xFFFFFE00  }
0x18: {  	[tilespmem:s6], [sflag:$0x1] =	stream.indirect.gather [hbm4b:s1+s6], $0x80, s3, s6, $0xb8;
	[tilespmem:$0x10200] =	vst v63  }
0x19: {  	p0 =	sne.s32 s13, $0x1;
	_ =	swait.ge [sflag:s7], $0x10000  }
.Ltmp0:
0x1a: {  	[sflag:s7] =	ssyncset.done $0x0;
	(pc) =	sbr.rel @!p0 .LBB2_2-.Ltmp0, $4  }
0x1b: {  	s12 =	sadd.s32 $0xE80, s14;
	[sflag:s7] =	ssyncadd.s32 $0xFFFF0000  }
0x1c: {  	[hbm4b:s12+s9] =	stream.strided.scatter [tilespmem:s6], [sflag:$0x2], $0x10000, s10, s9, $0x38;
	[tilespmem:$0x10200] =	vst v63  }
0x1d: {  	_ =	swait.ge [sflag:s4], $0x10000  }
0x1e: {  	s13 =	sadd.s32 $0xFFFFFFFF, s13;
	[sflag:s4] =	ssyncset.done $0x0  }
.LBB2_1:
0x1f: {  	p0 =	sne.s32 s13, $0x1;
	s13 =	sadd.s32 $0xFFFFFFFF, s13;
	[sflag:s4] =	ssyncadd.s32 $0xFFFF0000  }
0x20: {  	[tilespmem:s3], [sflag:$0x2] =	stream.linear.gather [hbm4b:s5+s3], $0x200, $0x38;
	[tilespmem:$0x10200] =	vst v63  }
0x21: {  	_ =	swait.ge [sflag:s4], $0x200  }
0x22: {  	[sflag:s4] =	ssyncset.done $0x0  }
0x23: {  	[sflag:s4] =	ssyncadd.s32 $0xFFFFFE00  }
0x24: {  	[tilespmem:s6], [sflag:$0x1] =	stream.indirect.gather [hbm4b:s1+s6], $0x80, s3, s6, $0xb8;
	[tilespmem:$0x10200] =	vst v63  }
0x25: {  	_ =	swait.ge [sflag:s7], $0x10000  }
0x26: {  	[sflag:s7] =	ssyncset.done $0x0  }
0x27: {  	[sflag:s7] =	ssyncadd.s32 $0xFFFF0000  }
0x28: {  	[hbm4b:s8+s9] =	stream.strided.scatter [tilespmem:s6], [sflag:$0x2], $0x10000, s10, s9, $0x38;
	[tilespmem:$0x10200] =	vst v63  }
0x29: {  	_ =	swait.ge [sflag:s4], $0x10000  }
0x2a: {  	[sflag:s4] =	ssyncset.done $0x0  }
0x2b: {  	[sflag:s4] =	ssyncadd.s32 $0xFFFF0000  }
0x2c: {  	[tilespmem:s3], [sflag:$0x2] =	stream.linear.gather [hbm4b:s11+s3], $0x200, $0x38;
	[tilespmem:$0x10200] =	vst v63  }
0x2d: {  	_ =	swait.ge [sflag:s4], $0x200  }
0x2e: {  	[sflag:s4] =	ssyncset.done $0x0  }
0x2f: {  	[sflag:s4] =	ssyncadd.s32 $0xFFFFFE00  }
0x30: {  	[tilespmem:s6], [sflag:$0x1] =	stream.indirect.gather [hbm4b:s1+s6], $0x80, s3, s6, $0xb8;
	[tilespmem:$0x10200] =	vst v63  }
0x31: {  	_ =	swait.ge [sflag:s7], $0x10000  }
.Ltmp1:
0x32: {  	[sflag:s7] =	ssyncset.done $0x0;
	(pc) =	sbr.rel @p0 .LBB2_1-.Ltmp1, $4  }
0x33: {  	[sflag:s7] =	ssyncadd.s32 $0xFFFF0000  }
0x34: {  	[hbm4b:s12+s9] =	stream.strided.scatter [tilespmem:s6], [sflag:$0x2], $0x10000, s10, s9, $0x38;
	[tilespmem:$0x10200] =	vst v63  }
0x35: {  	_ =	swait.ge [sflag:s4], $0x10000  }
0x36: {  	[sflag:s4] =	ssyncset.done $0x0  }
.LBB2_2:
0x37: {  	[sflag:s4] =	ssyncadd.s32 $0xFFFF0000  }
0x38: {  	_ =	sfence.sel $0x180000  }
0x39: {  	[bflag:$0x0] =	sbarrier.arrive $0xFFFF  }
0x3a: {  	p0 =	sne.s32 s0, $0x0;
	_ =	strace $0x90000047  }
0x3b: {  	s0 =	sadd.s32 @!p0 $0x100000, s2;
	[bflag:$0x2] =	sbarrier.arrive $0xFFFF  }
0x3c: {  	[sflag:s0] =	ssyncadd.tile.s32 @!p0 $0x1;
	_ =	shalt  }
.Lfunc_end2:
_tile_overlayer_lowered:
.L_overlay_start_2:
0x3d: {  	(tag) =	ssettag $0x2  }
0x3e: {  	s0 =	rddreg [dreg:$0x0];
	s2 =	stileid.u32  }
0x3f: {  	s1 =	rddreg [dreg:$0x1];
	p0 =	sne.s32 s2, $0x0  }
0x40: {  	s3 =	rddreg [dreg:$0x2];
	[bflag:$0x3] =	sbarrier.arrive $0xFFFF;
	s2 =	simm.s32 @!p0 $0x1C02  }
0x41: {  	[timem:s3], [sflag:s2] =	dma.local @!p0 [hbm:s0], s1  }
0x42: {  	s0 =	simm.s32 @!p0 $0x2  }
0x43: {  	_ =	swait.ge @!p0 [sflag:s0], s1  }
0x44: {  	s1 =	ssub.s32 @!p0 $0x0, s1;
	[sflag:s0] =	ssyncset.done @!p0 $0x0  }
0x45: {  	[sflag:s0] =	ssyncadd.s32 @!p0 s1  }
0x46: {  	[bflag:$0x3] =	sbarrier.arrive $0xFFFF  }
0x47: {  	_ =	shalt  }

</sc_bundles>
